<compile_context>
chip_gen: v7x
topology: tpu7x:2x2x1
jax: 0.10.2.dev20260603
libtpu: 0.0.44.dev20260713+nightly
codegen_flags: <defaults>
</compile_context>

<pallas_src>
import functools

import jax
import jax.numpy as jnp
from jax import lax
from jax.experimental import pallas as pl
from jax.experimental.pallas import tpu as pltpu
from jax.experimental.pallas import tpu_sc as plsc

_K = 16
_QB = 512



_NEG = -3e38
_CH = 128


def _top16(vals, pos, m_sz):
    cols_v, cols_p = [], []
    cur = vals
    for _ in range(_K):
        m = jnp.max(cur, axis=0, keepdims=True)
        cp = jnp.min(jnp.where(cur >= m, pos, m_sz), axis=0, keepdims=True)
        cols_v.append(m)
        cols_p.append(cp)
        cur = jnp.where(pos == cp, _NEG, cur)
    return jnp.concatenate(cols_v, axis=0), jnp.concatenate(cols_p, axis=0)


def _knn2_body(keys_ref, q_ref, idx_ref, s3_ref, cm_ref, rv_ref, ri_ref):
    m_sz = keys_ref.shape[0]
    ql = q_ref.shape[1]
    cc = m_sz // _CH
    keys = keys_ref[...]
    q4 = q_ref[...]
    cross = jnp.dot(keys[:, :3], q4[:3, :],
                    preferred_element_type=jnp.float32)
    s2 = cross + keys[:, 3:4]
    s3_ref[...] = jnp.reshape(s2, (cc, _CH, ql))
    cm_ref[...] = jnp.max(s3_ref[...], axis=1)
    rv_ref[...] = jnp.full((_K, ql), _NEG, jnp.float32)
    ri_ref[...] = jnp.zeros((_K, ql), jnp.int32)
    sub_iota = lax.broadcasted_iota(jnp.int32, (cc, _CH, ql), 1)
    chunk_base = lax.broadcasted_iota(jnp.int32, (cc, ql), 0) * _CH

    def round_body(r, carry):
        cmr = cm_ref[...]
        rv = rv_ref[...]
        rmin = jnp.min(rv, axis=0, keepdims=True)
        amax = jnp.max(cmr - rmin)

        @pl.when(amax >= 0.0)
        def _go():
            s3 = s3_ref[...]
            hit = s3 >= cmr[:, None, :]
            posc = jnp.min(jnp.where(hit, sub_iota, _CH), axis=1)
            snew = jnp.where(sub_iota == posc[:, None, :], _NEG, s3)
            s3_ref[...] = snew
            cm_ref[...] = jnp.max(snew, axis=1)
            pos = chunk_base + posc
            hv, hi = _top16(jnp.concatenate([rv, cmr], axis=0),
                            jnp.concatenate([ri_ref[...], pos], axis=0), m_sz)
            rv_ref[...] = hv
            ri_ref[...] = hi

        return carry

    lax.fori_loop(0, _K, round_body, 0)
    idx_ref[...] = ri_ref[...]


def _knn2(keys4, q_aug):
    m = keys4.shape[0]
    n = q_aug.shape[1]
    cc = m // _CH
    return pl.pallas_call(
        _knn2_body,
        grid=(n // _QB,),
        in_specs=[
            pl.BlockSpec((m, 4), lambda i: (0, 0)),
            pl.BlockSpec((4, _QB), lambda i: (0, i)),
        ],
        out_specs=pl.BlockSpec((_K, _QB), lambda i: (0, i)),
        out_shape=jax.ShapeDtypeStruct((_K, n), jnp.int32),
        scratch_shapes=[
            pltpu.VMEM((cc, _CH, _QB), jnp.float32),
            pltpu.VMEM((cc, _QB), jnp.float32),
            pltpu.VMEM((_K, _QB), jnp.float32),
            pltpu.VMEM((_K, _QB), jnp.int32),
        ],
    )(keys4, q_aug)


def _knn_body(qt_ref, keys_ref, idx_ref):
    q = qt_ref[...]
    keys = keys_ref[...]
    m_sz = keys.shape[1]
    cross = jnp.dot(q, keys, preferred_element_type=jnp.float32)
    k2 = jnp.sum(keys * keys, axis=0, keepdims=True)
    q2 = jnp.sum(q * q, axis=1, keepdims=True)
    s = -((q2 + k2) - 2.0 * cross)
    iota = lax.broadcasted_iota(jnp.int32, (1, m_sz), 1)
    cols = []
    for _ in range(_K):
        m = jnp.max(s, axis=1, keepdims=True)
        hit = s >= m
        pos = jnp.min(jnp.where(hit, iota, m_sz), axis=1, keepdims=True)
        cols.append(pos)
        s = jnp.where(iota == pos, -3e38, s)
    idx_ref[...] = jnp.concatenate(cols, axis=1)


def _knn(query_t, keys):
    n = query_t.shape[0]
    m = keys.shape[1]
    return pl.pallas_call(
        _knn_body,
        grid=(n // _QB,),
        in_specs=[
            pl.BlockSpec((_QB, 3), lambda i: (i, 0)),
            pl.BlockSpec((3, m), lambda i: (0, 0)),
        ],
        out_specs=pl.BlockSpec((_QB, _K), lambda i: (i, 0)),
        out_shape=jax.ShapeDtypeStruct((n, _K), jnp.int32),
    )(query_t, keys)



def _sc_gather(table, idx):
    v, d = table.shape
    bn = idx.shape[0]
    info = plsc.get_sparse_core_info()
    nw = info.num_cores * info.num_subcores
    b_per_w = bn // nw
    ch = min(b_per_w, 512)
    n_ch = b_per_w // ch
    mesh = plsc.VectorSubcoreMesh(core_axis_name="c", subcore_axis_name="s")

    @functools.partial(
        pl.kernel, mesh=mesh,
        out_type=jax.ShapeDtypeStruct((bn, d), jnp.float32),
        compiler_params=pltpu.CompilerParams(use_tc_tiling_on_sc=False),
        scratch_types=[
            pltpu.VMEM((ch,), jnp.int32),
            pltpu.VMEM((ch, d), jnp.float32),
            pltpu.SemaphoreType.DMA,
        ],
    )
    def gk(table_hbm, idx_hbm, out_hbm, idx_v, rows_v, sem):
        wid = lax.axis_index("s") * info.num_cores + lax.axis_index("c")
        base = wid * b_per_w

        def body(i, carry):
            off = base + i * ch
            pltpu.sync_copy(idx_hbm.at[pl.ds(off, ch)], idx_v)
            pltpu.async_copy(table_hbm.at[idx_v], rows_v, sem).wait()
            pltpu.sync_copy(rows_v, out_hbm.at[pl.ds(off, ch)])
            return carry

        lax.fori_loop(0, n_ch, body, 0)

    return gk(table, idx)



def _leaky(x):
    return jnp.where(x >= 0, x, 0.01 * x)


def _relu(x):
    return jnp.maximum(x, 0.0)


def _rep_k(x, qb):
    c = x.shape[1]
    return jnp.reshape(
        jnp.broadcast_to(x[:, None, :], (qb, _K, c)), (qb * _K, c))


def _p2n_body(g_ref, f1_ref, x1_ref,
              w1a_ref, w1b_ref, w1c_ref, b1_ref, w2_ref, b2_ref,
              v1_ref, c1_ref, v2_ref, c2_ref, v3_ref, c3_ref, out_ref):
    qb = f1_ref.shape[0]
    g = g_ref[...]
    f2 = g[:, :64]
    xyz = g[:, 64:67]
    x1 = x1_ref[...]
    xyzn = xyz - _rep_k(x1, qb)
    a1 = jnp.dot(f1_ref[...], w1a_ref[...],
                 preferred_element_type=jnp.float32)
    l1 = _leaky(_rep_k(a1, qb)
                + jnp.dot(f2, w1b_ref[...], preferred_element_type=jnp.float32)
                + jnp.dot(xyzn, w1c_ref[...], preferred_element_type=jnp.float32)
                + b1_ref[...])
    p2p = _leaky(jnp.dot(l1, w2_ref[...], preferred_element_type=jnp.float32)
                 + b2_ref[...])
    h = _relu(jnp.dot(xyzn, v1_ref[...], preferred_element_type=jnp.float32)
              + c1_ref[...])
    h = _relu(jnp.dot(h, v2_ref[...], preferred_element_type=jnp.float32)
              + c2_ref[...])
    wn = _relu(jnp.dot(h, v3_ref[...], preferred_element_type=jnp.float32)
               + c3_ref[...])
    prod = p2p * wn
    p2n = jnp.sum(jnp.reshape(prod, (qb, _K, 64)), axis=1)
    out_ref[...] = jnp.concatenate(
        [p2n, x1, jnp.zeros((qb, 13), jnp.float32)], axis=1)


def _p2n_call(g2, f1t, x1t, wts):
    n = f1t.shape[0]
    grid = (n // _QB,)
    full = lambda a: pl.BlockSpec(a.shape, lambda i: tuple(0 for _ in a.shape))
    return pl.pallas_call(
        _p2n_body,
        grid=grid,
        in_specs=[
            pl.BlockSpec((_QB * _K, 80), lambda i: (i, 0)),
            pl.BlockSpec((_QB, 64), lambda i: (i, 0)),
            pl.BlockSpec((_QB, 3), lambda i: (i, 0)),
        ] + [full(w) for w in wts],
        out_specs=pl.BlockSpec((_QB, 80), lambda i: (i, 0)),
        out_shape=jax.ShapeDtypeStruct((n, 80), jnp.float32),
    )(g2, f1t, x1t, *wts)


def _n2n_body(g_ref, x1_ref, u1_ref, d1_ref, u2_ref, d2_ref, u3_ref, d3_ref,
              out_ref):
    qb = x1_ref.shape[0]
    g = g_ref[...]
    p2n = g[:, :64]
    xyz = g[:, 64:67]
    xyzn = xyz - _rep_k(x1_ref[...], qb)
    h = _relu(jnp.dot(xyzn, u1_ref[...], preferred_element_type=jnp.float32)
              + d1_ref[...])
    h = _relu(jnp.dot(h, u2_ref[...], preferred_element_type=jnp.float32)
              + d2_ref[...])
    wn = _relu(jnp.dot(h, u3_ref[...], preferred_element_type=jnp.float32)
               + d3_ref[...])
    prod = wn * p2n
    out_ref[...] = jnp.sum(jnp.reshape(prod, (qb, _K, 64)), axis=1)


def _n2n_call(g1, x1t, wts):
    n = x1t.shape[0]
    grid = (n // _QB,)
    full = lambda a: pl.BlockSpec(a.shape, lambda i: tuple(0 for _ in a.shape))
    return pl.pallas_call(
        _n2n_body,
        grid=grid,
        in_specs=[
            pl.BlockSpec((_QB * _K, 80), lambda i: (i, 0)),
            pl.BlockSpec((_QB, 3), lambda i: (i, 0)),
        ] + [full(w) for w in wts],
        out_specs=pl.BlockSpec((_QB, 64), lambda i: (i, 0)),
        out_shape=jax.ShapeDtypeStruct((n, 64), jnp.float32),
    )(g1, x1t, *wts)



def kernel(xyz1, feat1, xyz2, feat2, cost_w1, cost_b1, cost_w2, cost_b2,
           wn1_w1, wn1_b1, wn1_w2, wn1_b2, wn1_w3, wn1_b3,
           wn2_w1, wn2_b1, wn2_w2, wn2_b2, wn2_w3, wn2_b3):
    B, C, N = feat1.shape
    x1t = jnp.transpose(xyz1[0])
    x2t = jnp.transpose(xyz2[0])

    def keys4(xt):
        return jnp.concatenate(
            [2.0 * xt, -jnp.sum(xt * xt, axis=1, keepdims=True)], axis=1)

    n_col = xyz1.shape[2]
    q_aug = jnp.concatenate(
        [xyz1[0], jnp.ones((1, n_col), jnp.float32)], axis=0)
    idx12 = jnp.transpose(_knn2(keys4(x2t), q_aug))
    idx11 = jnp.transpose(_knn2(keys4(x1t), q_aug))

    f2t = jnp.transpose(feat2[0])
    table2 = jnp.concatenate(
        [f2t, x2t, jnp.zeros((N, 13), jnp.float32)], axis=1)
    g2 = _sc_gather(table2, jnp.reshape(idx12, (-1,)))

    f1t = jnp.transpose(feat1[0])
    wts_c = (
        jnp.transpose(cost_w1[:, :64]),
        jnp.transpose(cost_w1[:, 64:128]),
        jnp.transpose(cost_w1[:, 128:131]),
        cost_b1[None, :],
        jnp.transpose(cost_w2), cost_b2[None, :],
        jnp.transpose(wn2_w1), wn2_b1[None, :],
        jnp.transpose(wn2_w2), wn2_b2[None, :],
        jnp.transpose(wn2_w3), wn2_b3[None, :],
    )
    table1 = _p2n_call(g2, f1t, x1t, wts_c)

    g1 = _sc_gather(table1, jnp.reshape(idx11, (-1,)))
    wts_n = (
        jnp.transpose(wn1_w1), wn1_b1[None, :],
        jnp.transpose(wn1_w2), wn1_b2[None, :],
        jnp.transpose(wn1_w3), wn1_b3[None, :],
    )
    n2n = _n2n_call(g1, x1t, wts_n)
    return jnp.transpose(n2n)[None]

# --- scband reference (transcript-rebuilt; emitter-appended) ---
"""Pipeline reference for scband-correlation3-d-83786222010961 (READ-ONLY COPY).

The authoritative reference and input builder live on the scoring server;
editing this copy changes nothing except your own understanding.
"""

import jax, jax.numpy as jnp
import numpy as np

K = 16

def k_nearest_neighbor(input_xyz, query_xyz, k):
    # input_xyz: [B,3,M], query_xyz: [B,3,N] -> idx [B,N,k]
    q2 = jnp.sum(query_xyz ** 2, axis=1)
    i2 = jnp.sum(input_xyz ** 2, axis=1)
    cross = jnp.einsum('bcn,bcm->bnm', query_xyz, input_xyz)
    dist = q2[:, :, None] + i2[:, None, :] - 2.0 * cross
    _, idx = jax.lax.top_k(-jax.lax.stop_gradient(dist), k)
    return idx

def batch_indexing(x, idx):
    # x: [B,C,M], idx: [B,N,k] -> [B,C,N,k]
    return jax.vmap(lambda xb, ib: xb[:, ib])(x, idx)

def mlp2d(x, params, act):
    # sequence of 1x1 conv2d layers, activation after each layer
    for W, b in params:
        x = act(jnp.einsum('oc,bcnk->bonk', W, x) + b[None, :, None, None])
    return x

def _leaky(x):
    return jax.nn.leaky_relu(x, negative_slope=0.01)

def setup_inputs(seed: int = 0):
    key = jax.random.key(seed)
    B, N, C, O = 1, 8192, 64, 64
    ks = jax.random.split(key, 24)
    def w(k, o, c):
        return jax.random.normal(k, (o, c), dtype=jnp.float32) * (1.0 / np.sqrt(c))
    inp = {
        'xyz1': jax.random.normal(ks[0], (B, 3, N), dtype=jnp.float32),
        'feat1': jax.random.normal(ks[1], (B, C, N), dtype=jnp.float32),
        'xyz2': jax.random.normal(ks[2], (B, 3, N), dtype=jnp.float32),
        'feat2': jax.random.normal(ks[3], (B, C, N), dtype=jnp.float32),
        'cost_w1': w(ks[4], O, 3 + 2 * C), 'cost_b1': jnp.zeros((O,), jnp.float32),
        'cost_w2': w(ks[5], O, O), 'cost_b2': jnp.zeros((O,), jnp.float32),
        'wn1_w1': w(ks[6], 8, 3), 'wn1_b1': jnp.zeros((8,), jnp.float32),
        'wn1_w2': w(ks[7], 8, 8), 'wn1_b2': jnp.zeros((8,), jnp.float32),
        'wn1_w3': w(ks[8], O, 8), 'wn1_b3': jnp.zeros((O,), jnp.float32),
        'wn2_w1': w(ks[9], 8, 3), 'wn2_b1': jnp.zeros((8,), jnp.float32),
        'wn2_w2': w(ks[10], 8, 8), 'wn2_b2': jnp.zeros((8,), jnp.float32),
        'wn2_w3': w(ks[11], O, 8), 'wn2_b3': jnp.zeros((O,), jnp.float32),
    }
    return inp

def reference(xyz1, feat1, xyz2, feat2, cost_w1, cost_b1, cost_w2, cost_b2, wn1_w1, wn1_b1, wn1_w2, wn1_b2, wn1_w3, wn1_b3, wn2_w1, wn2_b1, wn2_w2, wn2_b2, wn2_w3, wn2_b3):
    B, C, N = feat1.shape
    knn_indices_1in2 = k_nearest_neighbor(xyz2, xyz1, K)
    knn_xyz2 = batch_indexing(xyz2, knn_indices_1in2)
    knn_xyz2_norm = knn_xyz2 - xyz1[:, :, :, None]
    knn_features2 = batch_indexing(feat2, knn_indices_1in2)
    features1_expand = jnp.broadcast_to(feat1[:, :, :, None], (B, C, N, K))
    concatenated = jnp.concatenate([features1_expand, knn_features2, knn_xyz2_norm], axis=1)
    p2p_cost = mlp2d(concatenated, [(cost_w1, cost_b1), (cost_w2, cost_b2)], _leaky)
    weights2 = mlp2d(knn_xyz2_norm, [(wn2_w1, wn2_b1), (wn2_w2, wn2_b2), (wn2_w3, wn2_b3)], jax.nn.relu)
    p2n_cost = jnp.sum(weights2 * p2p_cost, axis=3)
    knn_indices_1in1 = k_nearest_neighbor(xyz1, xyz1, K)
    knn_xyz1 = batch_indexing(xyz1, knn_indices_1in1)
    knn_xyz1_norm = knn_xyz1 - xyz1[:, :, :, None]
    weights1 = mlp2d(knn_xyz1_norm, [(wn1_w1, wn1_b1), (wn1_w2, wn1_b2), (wn1_w3, wn1_b3)], jax.nn.relu)
    n2n_cost = batch_indexing(p2n_cost, knn_indices_1in1)
    n2n_cost = jnp.sum(weights1 * n2n_cost, axis=3)
    return n2n_cost

if __name__ == "__main__":
    import jax
    _d = setup_inputs()
    print(jax.jit(kernel)(*tuple(_d.values())))

</pallas_src>

<mosaic_0001>
#map = affine_map<(d0, d1) -> (0, 0)>
#map1 = affine_map<(d0, d1) -> (0)>
module attributes {stable_mosaic.version = 14 : i64} {
  func.func @gk(%arg0: i32, %arg1: i32, %arg2: memref<8192x80xf32, #tpu.memory_space<hbm>>, %arg3: memref<131072xi32, #tpu.memory_space<hbm>>, %arg4: memref<131072x80xf32, #tpu.memory_space<hbm>>, %arg5: memref<512xi32, #tpu.memory_space<vmem>>, %arg6: memref<512x80xf32, #tpu.memory_space<vmem>>, %arg7: memref<!tpu.dma_semaphore, #tpu.memory_space<semaphore_mem>>) attributes {dimension_semantics = [#tpu.dimension_semantics<core_parallel>, #tpu.dimension_semantics<subcore_parallel>], iteration_bounds = array<i64: 2, 16>, scalar_prefetch = 0 : i64, scratch_operands = 3 : i64, tpu.core_type = #tpu.core_type<sc_vector_subcore>, window_params = [{transform_indices = #map}, {transform_indices = #map1}, {transform_indices = #map}]} {
    %mul3A = arith.constant 2 : i32
    %mul3A_0 = arith.muli %arg1, %mul3A : i32
    %add3A = arith.addi %mul3A_0, %arg0 : i32
    %mul3A_1 = arith.constant 4096 : i32
    %mul3A_2 = arith.muli %add3A, %mul3A_1 : i32
    %scan3A = arith.constant 0 : i32
    %scan3A_3 = arith.constant 0 : i32
    %scan3A_4 = arith.constant 8 : i32
    %scan3A_5 = arith.addi %scan3A_3, %scan3A_4 : i32
    %scan3A_6 = arith.constant 1 : i32
    scf.for %scan3A_8 = %scan3A_3 to %scan3A_5 step %scan3A_6  : i32 {
      %mul3A_9 = arith.constant 512 : i32
      %mul3A_10 = arith.muli %scan3A_8, %mul3A_9 : i32
      %add3A_11 = arith.addi %mul3A_2, %mul3A_10 : i32
      "tpu.region"() ({
        %run_scoped3A = tpu.sem_alloc : memref<!tpu.dma_semaphore, #tpu.memory_space<semaphore_mem>>
        %dma_start3A_16 = tpu.memref_slice %arg3[%add3A_11] : memref<131072xi32, #tpu.memory_space<hbm>> -> memref<512xi32, #tpu.memory_space<hbm>>
        %dma_start3A_17 = tpu.memref_slice %arg3[%add3A_11] : memref<131072xi32, #tpu.memory_space<hbm>> -> memref<512xi32, #tpu.memory_space<hbm>>
        tpu.enqueue_dma source(%dma_start3A_17 : memref<512xi32, #tpu.memory_space<hbm>>) target(%arg5 : memref<512xi32, #tpu.memory_space<vmem>>) target_semaphore(%run_scoped3A : memref<!tpu.dma_semaphore, #tpu.memory_space<semaphore_mem>>)
        %dma_wait3A_18 = tpu.memref_slice %arg3[%add3A_11] : memref<131072xi32, #tpu.memory_space<hbm>> -> memref<512xi32, #tpu.memory_space<hbm>>
        %dma_wait3A_19 = tpu.memref_slice %arg3[%add3A_11] : memref<131072xi32, #tpu.memory_space<hbm>> -> memref<512xi32, #tpu.memory_space<hbm>>
        tpu.wait_dma2 semaphore(%run_scoped3A : memref<!tpu.dma_semaphore, #tpu.memory_space<semaphore_mem>>) src(%dma_wait3A_19 : memref<512xi32, #tpu.memory_space<hbm>>) dst(%arg5 : memref<512xi32, #tpu.memory_space<vmem>>)
        tpu.yield
      }) : () -> ()
      %dma_start3A = arith.constant 0 : i32
      %dma_start3A_12 = arith.constant 0 : i32
      %dma_start3A_13 = tpu.memref_slice %arg2[%dma_start3A, %dma_start3A_12] : memref<8192x80xf32, #tpu.memory_space<hbm>> -> memref<8192x80xf32, #tpu.memory_space<hbm>>
      tpu.enqueue_indirect_dma source(%dma_start3A_13 : memref<8192x80xf32, #tpu.memory_space<hbm>>) target(%arg6 : memref<512x80xf32, #tpu.memory_space<vmem>>) offsets(%arg5 : memref<512xi32, #tpu.memory_space<vmem>>) semaphore(%arg7 : memref<!tpu.dma_semaphore, #tpu.memory_space<semaphore_mem>>)
      %dma_wait3A = arith.constant 0 : i32
      %dma_wait3A_14 = arith.constant 0 : i32
      %dma_wait3A_15 = tpu.memref_slice %arg2[%dma_wait3A, %dma_wait3A_14] : memref<8192x80xf32, #tpu.memory_space<hbm>> -> memref<8192x80xf32, #tpu.memory_space<hbm>>
      tpu.wait_indirect_dma semaphore(%arg7 : memref<!tpu.dma_semaphore, #tpu.memory_space<semaphore_mem>>) src(%dma_wait3A_15 : memref<8192x80xf32, #tpu.memory_space<hbm>>) dst(%arg6 : memref<512x80xf32, #tpu.memory_space<vmem>>)
      "tpu.region"() ({
        %run_scoped3A = tpu.sem_alloc : memref<!tpu.dma_semaphore, #tpu.memory_space<semaphore_mem>>
        %dma_start3A_16 = arith.constant 0 : i32
        %dma_start3A_17 = tpu.memref_slice %arg4[%add3A_11, %dma_start3A_16] : memref<131072x80xf32, #tpu.memory_space<hbm>> -> memref<512x80xf32, #tpu.memory_space<hbm>>
        %dma_start3A_18 = arith.constant 0 : i32
        %dma_start3A_19 = tpu.memref_slice %arg4[%add3A_11, %dma_start3A_18] : memref<131072x80xf32, #tpu.memory_space<hbm>> -> memref<512x80xf32, #tpu.memory_space<hbm>>
        tpu.enqueue_dma source(%arg6 : memref<512x80xf32, #tpu.memory_space<vmem>>) target(%dma_start3A_19 : memref<512x80xf32, #tpu.memory_space<hbm>>) target_semaphore(%run_scoped3A : memref<!tpu.dma_semaphore, #tpu.memory_space<semaphore_mem>>)
        %dma_wait3A_20 = arith.constant 0 : i32
        %dma_wait3A_21 = tpu.memref_slice %arg4[%add3A_11, %dma_wait3A_20] : memref<131072x80xf32, #tpu.memory_space<hbm>> -> memref<512x80xf32, #tpu.memory_space<hbm>>
        %dma_wait3A_22 = arith.constant 0 : i32
        %dma_wait3A_23 = tpu.memref_slice %arg4[%add3A_11, %dma_wait3A_22] : memref<131072x80xf32, #tpu.memory_space<hbm>> -> memref<512x80xf32, #tpu.memory_space<hbm>>
        tpu.wait_dma2 semaphore(%run_scoped3A : memref<!tpu.dma_semaphore, #tpu.memory_space<semaphore_mem>>) src(%arg6 : memref<512x80xf32, #tpu.memory_space<vmem>>) dst(%dma_wait3A_23 : memref<512x80xf32, #tpu.memory_space<hbm>>)
        tpu.yield
      }) : () -> ()
    }
    %scan3A_7 = arith.constant 8 : i32
    return
  }
}

#map = affine_map<(d0, d1) -> (0, 0)>
#map1 = affine_map<(d0, d1) -> (0)>
module attributes {stable_mosaic.version = 14 : i64} {
  func.func @gk(%arg0: i32, %arg1: i32, %arg2: memref<8192x80xf32, #tpu.memory_space<hbm>>, %arg3: memref<131072xi32, #tpu.memory_space<hbm>>, %arg4: memref<131072x80xf32, #tpu.memory_space<hbm>>, %arg5: memref<512xi32, #tpu.memory_space<vmem>>, %arg6: memref<512x80xf32, #tpu.memory_space<vmem>>, %arg7: memref<!tpu.dma_semaphore, #tpu.memory_space<semaphore_mem>>) attributes {dimension_semantics = [#tpu.dimension_semantics<core_parallel>, #tpu.dimension_semantics<subcore_parallel>], iteration_bounds = array<i64: 2, 16>, scalar_prefetch = 0 : i64, scratch_operands = 3 : i64, tpu.core_type = #tpu.core_type<sc_vector_subcore>, window_params = [{transform_indices = #map}, {transform_indices = #map1}, {transform_indices = #map}]} {
    %mul3A = arith.constant 2 : i32
    %mul3A_0 = arith.muli %arg1, %mul3A : i32
    %add3A = arith.addi %mul3A_0, %arg0 : i32
    %mul3A_1 = arith.constant 4096 : i32
    %mul3A_2 = arith.muli %add3A, %mul3A_1 : i32
    %scan3A = arith.constant 0 : i32
    %scan3A_3 = arith.constant 0 : i32
    %scan3A_4 = arith.constant 8 : i32
    %scan3A_5 = arith.addi %scan3A_3, %scan3A_4 : i32
    %scan3A_6 = arith.constant 1 : i32
    scf.for %scan3A_8 = %scan3A_3 to %scan3A_5 step %scan3A_6  : i32 {
      %mul3A_9 = arith.constant 512 : i32
      %mul3A_10 = arith.muli %scan3A_8, %mul3A_9 : i32
      %add3A_11 = arith.addi %mul3A_2, %mul3A_10 : i32
      "tpu.region"() ({
        %run_scoped3A = tpu.sem_alloc : memref<!tpu.dma_semaphore, #tpu.memory_space<semaphore_mem>>
        %dma_start3A_16 = tpu.memref_slice %arg3[%add3A_11] : memref<131072xi32, #tpu.memory_space<hbm>> -> memref<512xi32, #tpu.memory_space<hbm>>
        %dma_start3A_17 = tpu.memref_slice %arg3[%add3A_11] : memref<131072xi32, #tpu.memory_space<hbm>> -> memref<512xi32, #tpu.memory_space<hbm>>
        tpu.enqueue_dma source(%dma_start3A_17 : memref<512xi32, #tpu.memory_space<hbm>>) target(%arg5 : memref<512xi32, #tpu.memory_space<vmem>>) target_semaphore(%run_scoped3A : memref<!tpu.dma_semaphore, #tpu.memory_space<semaphore_mem>>)
        %dma_wait3A_18 = tpu.memref_slice %arg3[%add3A_11] : memref<131072xi32, #tpu.memory_space<hbm>> -> memref<512xi32, #tpu.memory_space<hbm>>
        %dma_wait3A_19 = tpu.memref_slice %arg3[%add3A_11] : memref<131072xi32, #tpu.memory_space<hbm>> -> memref<512xi32, #tpu.memory_space<hbm>>
        tpu.wait_dma2 semaphore(%run_scoped3A : memref<!tpu.dma_semaphore, #tpu.memory_space<semaphore_mem>>) src(%dma_wait3A_19 : memref<512xi32, #tpu.memory_space<hbm>>) dst(%arg5 : memref<512xi32, #tpu.memory_space<vmem>>)
        tpu.yield
      }) : () -> ()
      %dma_start3A = arith.constant 0 : i32
      %dma_start3A_12 = arith.constant 0 : i32
      %dma_start3A_13 = tpu.memref_slice %arg2[%dma_start3A, %dma_start3A_12] : memref<8192x80xf32, #tpu.memory_space<hbm>> -> memref<8192x80xf32, #tpu.memory_space<hbm>>
      tpu.enqueue_indirect_dma source(%dma_start3A_13 : memref<8192x80xf32, #tpu.memory_space<hbm>>) target(%arg6 : memref<512x80xf32, #tpu.memory_space<vmem>>) offsets(%arg5 : memref<512xi32, #tpu.memory_space<vmem>>) semaphore(%arg7 : memref<!tpu.dma_semaphore, #tpu.memory_space<semaphore_mem>>)
      %dma_wait3A = arith.constant 0 : i32
      %dma_wait3A_14 = arith.constant 0 : i32
      %dma_wait3A_15 = tpu.memref_slice %arg2[%dma_wait3A, %dma_wait3A_14] : memref<8192x80xf32, #tpu.memory_space<hbm>> -> memref<8192x80xf32, #tpu.memory_space<hbm>>
      tpu.wait_indirect_dma semaphore(%arg7 : memref<!tpu.dma_semaphore, #tpu.memory_space<semaphore_mem>>) src(%dma_wait3A_15 : memref<8192x80xf32, #tpu.memory_space<hbm>>) dst(%arg6 : memref<512x80xf32, #tpu.memory_space<vmem>>)
      "tpu.region"() ({
        %run_scoped3A = tpu.sem_alloc : memref<!tpu.dma_semaphore, #tpu.memory_space<semaphore_mem>>
        %dma_start3A_16 = arith.constant 0 : i32
        %dma_start3A_17 = tpu.memref_slice %arg4[%add3A_11, %dma_start3A_16] : memref<131072x80xf32, #tpu.memory_space<hbm>> -> memref<512x80xf32, #tpu.memory_space<hbm>>
        %dma_start3A_18 = arith.constant 0 : i32
        %dma_start3A_19 = tpu.memref_slice %arg4[%add3A_11, %dma_start3A_18] : memref<131072x80xf32, #tpu.memory_space<hbm>> -> memref<512x80xf32, #tpu.memory_space<hbm>>
        tpu.enqueue_dma source(%arg6 : memref<512x80xf32, #tpu.memory_space<vmem>>) target(%dma_start3A_19 : memref<512x80xf32, #tpu.memory_space<hbm>>) target_semaphore(%run_scoped3A : memref<!tpu.dma_semaphore, #tpu.memory_space<semaphore_mem>>)
        %dma_wait3A_20 = arith.constant 0 : i32
        %dma_wait3A_21 = tpu.memref_slice %arg4[%add3A_11, %dma_wait3A_20] : memref<131072x80xf32, #tpu.memory_space<hbm>> -> memref<512x80xf32, #tpu.memory_space<hbm>>
        %dma_wait3A_22 = arith.constant 0 : i32
        %dma_wait3A_23 = tpu.memref_slice %arg4[%add3A_11, %dma_wait3A_22] : memref<131072x80xf32, #tpu.memory_space<hbm>> -> memref<512x80xf32, #tpu.memory_space<hbm>>
        tpu.wait_dma2 semaphore(%run_scoped3A : memref<!tpu.dma_semaphore, #tpu.memory_space<semaphore_mem>>) src(%arg6 : memref<512x80xf32, #tpu.memory_space<vmem>>) dst(%dma_wait3A_23 : memref<512x80xf32, #tpu.memory_space<hbm>>)
        tpu.yield
      }) : () -> ()
    }
    %scan3A_7 = arith.constant 8 : i32
    return
  }
}

module attributes {stable_mosaic.version = 14 : i64} {
  func.func @_knn2_body(%arg0: i32, %arg1: memref<8192x4xf32, #tpu.memory_space<vmem>>, %arg2: memref<4x512xf32, #tpu.memory_space<vmem>>, %arg3: memref<16x512xi32, #tpu.memory_space<vmem>>, %arg4: memref<64x128x512xf32, #tpu.memory_space<vmem>>, %arg5: memref<64x512xf32, #tpu.memory_space<vmem>>, %arg6: memref<16x512xf32, #tpu.memory_space<vmem>>, %arg7: memref<16x512xi32, #tpu.memory_space<vmem>>) attributes {dimension_semantics = [#tpu.dimension_semantics<arbitrary>], iteration_bounds = array<i64: 16>, scalar_prefetch = 0 : i64, scratch_operands = 4 : i64, tpu.core_type = #tpu.core_type<tc>, window_params = [{pipeline_mode = #tpu.pipeline_mode<synchronous>, transform_indices = @transform_0, window_bounds = array<i64: 8192, 4>}, {transform_indices = @transform_1, window_bounds = array<i64: 4, 512>}, {transform_indices = @transform_2, window_bounds = array<i64: 16, 512>}]} {
    %get3A = arith.constant 0 : index
    %get3A_0 = arith.constant 0 : index
    %get3A_1 = vector.load %arg1[%get3A, %get3A_0] : memref<8192x4xf32, #tpu.memory_space<vmem>>, vector<8192x4xf32>
    %get3A_2 = arith.constant 0 : index
    %get3A_3 = arith.constant 0 : index
    %get3A_4 = vector.load %arg2[%get3A_2, %get3A_3] : memref<4x512xf32, #tpu.memory_space<vmem>>, vector<4x512xf32>
    %slice3A = vector.extract_strided_slice %get3A_1 {offsets = [0, 0], sizes = [8192, 3], strides = [1, 1]} : vector<8192x4xf32> to vector<8192x3xf32>
    %slice3A_5 = vector.extract_strided_slice %get3A_4 {offsets = [0, 0], sizes = [3, 512], strides = [1, 1]} : vector<4x512xf32> to vector<3x512xf32>
    %dot_general3A = arith.constant dense<0.000000e+00> : vector<8192x512xf32>
    %dot_general3A_6 = tpu.matmul %slice3A, %slice3A_5, %dot_general3A {dimension_numbers = #tpu.dot_dimension_numbers<[1], [0], [0], [1], [0, 0, 1, 1], [], []>, transpose_lhs_hint = false} : vector<8192x3xf32>, vector<3x512xf32>, vector<8192x512xf32> -> vector<8192x512xf32>
    %slice3A_7 = vector.extract_strided_slice %get3A_1 {offsets = [0, 3], sizes = [8192, 1], strides = [1, 1]} : vector<8192x4xf32> to vector<8192x1xf32>
    %add3A = vector.broadcast %slice3A_7 : vector<8192x1xf32> to vector<8192x512xf32>
    %add3A_8 = arith.addf %dot_general3A_6, %add3A : vector<8192x512xf32>
    %reshape3A = vector.shape_cast %add3A_8 : vector<8192x512xf32> to vector<64x128x512xf32>
    %swap3A = arith.constant 0 : index
    %swap3A_9 = arith.constant 0 : index
    %swap3A_10 = arith.constant 0 : index
    %swap3A_11 = vector.load %arg4[%swap3A, %swap3A_9, %swap3A_10] : memref<64x128x512xf32, #tpu.memory_space<vmem>>, vector<64x128x512xf32>
    tpu.vector_store %arg4[%swap3A, %swap3A_9, %swap3A_10], %reshape3A {strides = array<i32>} : memref<64x128x512xf32, #tpu.memory_space<vmem>>, vector<64x128x512xf32>,
    %get3A_12 = arith.constant 0 : index
    %get3A_13 = arith.constant 0 : index
    %get3A_14 = arith.constant 0 : index
    %get3A_15 = vector.load %arg4[%get3A_12, %get3A_13, %get3A_14] : memref<64x128x512xf32, #tpu.memory_space<vmem>>, vector<64x128x512xf32>
    %reduce_max3A = arith.constant dense<0xFF800000> : vector<64x512xf32>
    %reduce_max3A_16 = vector.multi_reduction <maximumf>, %get3A_15, %reduce_max3A [1] : vector<64x128x512xf32> to vector<64x512xf32>
    %swap3A_17 = arith.constant 0 : index
    %swap3A_18 = arith.constant 0 : index
    %swap3A_19 = vector.load %arg5[%swap3A_17, %swap3A_18] : memref<64x512xf32, #tpu.memory_space<vmem>>, vector<64x512xf32>
    tpu.vector_store %arg5[%swap3A_17, %swap3A_18], %reduce_max3A_16 {strides = array<i32>} : memref<64x512xf32, #tpu.memory_space<vmem>>, vector<64x512xf32>,
    %broadcast_in_dim3A = arith.constant -3.000000e+38 : f32
    %broadcast_in_dim3A_20 = vector.broadcast %broadcast_in_dim3A : f32 to vector<16x512xf32>
    %swap3A_21 = arith.constant 0 : index
    %swap3A_22 = arith.constant 0 : index
    %swap3A_23 = vector.load %arg6[%swap3A_21, %swap3A_22] : memref<16x512xf32, #tpu.memory_space<vmem>>, vector<16x512xf32>
    tpu.vector_store %arg6[%swap3A_21, %swap3A_22], %broadcast_in_dim3A_20 {strides = array<i32>} : memref<16x512xf32, #tpu.memory_space<vmem>>, vector<16x512xf32>,
    %broadcast_in_dim3A_24 = arith.constant 0 : i32
    %broadcast_in_dim3A_25 = vector.broadcast %broadcast_in_dim3A_24 : i32 to vector<16x512xi32>
    %swap3A_26 = arith.constant 0 : index
    %swap3A_27 = arith.constant 0 : index
    %swap3A_28 = vector.load %arg7[%swap3A_26, %swap3A_27] : memref<16x512xi32, #tpu.memory_space<vmem>>, vector<16x512xi32>
    tpu.vector_store %arg7[%swap3A_26, %swap3A_27], %broadcast_in_dim3A_25 {strides = array<i32>} : memref<16x512xi32, #tpu.memory_space<vmem>>, vector<16x512xi32>,
    %iota3A = tpu.iota {dimensions = array<i32: 1>} : vector<64x128x512xi32>
    %iota3A_29 = tpu.iota {dimensions = array<i32: 0>} : vector<64x512xi32>
    %mul3A = arith.constant 128 : i32
    %mul3A_30 = vector.broadcast %mul3A : i32 to vector<64x512xi32>
    %mul3A_31 = arith.muli %iota3A_29, %mul3A_30 : vector<64x512xi32>
    %scan3A = arith.constant 0 : i32
    %scan3A_32 = arith.constant 16 : i32
    %scan3A_33 = arith.addi %scan3A, %scan3A_32 : i32
    %scan3A_34 = arith.constant 1 : i32
    scf.for %scan3A_41 = %scan3A to %scan3A_33 step %scan3A_34  : i32 {
      %get3A_42 = arith.constant 0 : index
      %get3A_43 = arith.constant 0 : index
      %get3A_44 = vector.load %arg5[%get3A_42, %get3A_43] : memref<64x512xf32, #tpu.memory_space<vmem>>, vector<64x512xf32>
      %get3A_45 = arith.constant 0 : index
      %get3A_46 = arith.constant 0 : index
      %get3A_47 = vector.load %arg6[%get3A_45, %get3A_46] : memref<16x512xf32, #tpu.memory_space<vmem>>, vector<16x512xf32>
      %reduce_min3A = arith.constant dense<0x7F800000> : vector<512xf32>
      %reduce_min3A_48 = vector.multi_reduction <minimumf>, %get3A_47, %reduce_min3A [0] : vector<16x512xf32> to vector<512xf32>
      %broadcast_in_dim3A_49 = vector.shape_cast %reduce_min3A_48 : vector<512xf32> to vector<1x512xf32>
      %sub3A = vector.broadcast %broadcast_in_dim3A_49 : vector<1x512xf32> to vector<64x512xf32>
      %sub3A_50 = arith.subf %get3A_44, %sub3A : vector<64x512xf32>
      %reduce_max3A_51 = vector.shape_cast %sub3A_50 : vector<64x512xf32> to vector<1x64x512xf32>
      %reduce_max3A_52 = arith.constant dense<0xFF800000> : vector<1xf32>
      %reduce_max3A_53 = vector.multi_reduction <maximumf>, %reduce_max3A_51, %reduce_max3A_52 [1, 2] : vector<1x64x512xf32> to vector<1xf32>
      %reduce_max3A_54 = vector.shape_cast %reduce_max3A_53 : vector<1xf32> to vector<1x1x1xf32>
      %reduce_max3A_55 = vector.extract %reduce_max3A_54[0, 0, 0] : f32 from vector<1x1x1xf32>
      %ge3A = arith.constant 0.000000e+00 : f32
      %ge3A_56 = arith.cmpf oge, %reduce_max3A_55, %ge3A : f32
      %convert_element_type3A = arith.extui %ge3A_56 : i1 to i32
      %cond3A = arith.constant 0 : i32
      %cond3A_57 = arith.cmpi ne, %convert_element_type3A, %cond3A : i32
      scf.if %cond3A_57 {
        %get3A_58 = arith.constant 0 : index
        %get3A_59 = arith.constant 0 : index
        %get3A_60 = arith.constant 0 : index
        %get3A_61 = vector.load %arg4[%get3A_58, %get3A_59, %get3A_60] : memref<64x128x512xf32, #tpu.memory_space<vmem>>, vector<64x128x512xf32>
        %broadcast_in_dim3A_62 = vector.shape_cast %get3A_44 : vector<64x512xf32> to vector<64x1x512xf32>
        %ge3A_63 = vector.broadcast %broadcast_in_dim3A_62 : vector<64x1x512xf32> to vector<64x128x512xf32>
        %ge3A_64 = arith.cmpf oge, %get3A_61, %ge3A_63 : vector<64x128x512xf32>
        %jit3A = arith.constant 128 : i32
        %broadcast_in_dim3A_65 = vector.broadcast %jit3A : i32 to vector<64x128x512xi32>
        %select_n3A = arith.select %ge3A_64, %iota3A, %broadcast_in_dim3A_65 : vector<64x128x512xi1>, vector<64x128x512xi32>
        %reduce_min3A_66 = arith.constant dense<2147483647> : vector<64x512xi32>
        %reduce_min3A_67 = vector.multi_reduction <minsi>, %select_n3A, %reduce_min3A_66 [1] : vector<64x128x512xi32> to vector<64x512xi32>
        %broadcast_in_dim3A_68 = vector.shape_cast %reduce_min3A_67 : vector<64x512xi32> to vector<64x1x512xi32>
        %eq3A = vector.broadcast %broadcast_in_dim3A_68 : vector<64x1x512xi32> to vector<64x128x512xi32>
        %eq3A_69 = arith.cmpi eq, %iota3A, %eq3A : vector<64x128x512xi32>
        %jit3A_70 = arith.constant -3.000000e+38 : f32
        %broadcast_in_dim3A_71 = vector.broadcast %jit3A_70 : f32 to vector<64x128x512xf32>
        %select_n3A_72 = arith.select %eq3A_69, %broadcast_in_dim3A_71, %get3A_61 : vector<64x128x512xi1>, vector<64x128x512xf32>
        %swap3A_73 = arith.constant 0 : index
        %swap3A_74 = arith.constant 0 : index
        %swap3A_75 = arith.constant 0 : index
        %swap3A_76 = vector.load %arg4[%swap3A_73, %swap3A_74, %swap3A_75] : memref<64x128x512xf32, #tpu.memory_space<vmem>>, vector<64x128x512xf32>
        tpu.vector_store %arg4[%swap3A_73, %swap3A_74, %swap3A_75], %select_n3A_72 {strides = array<i32>} : memref<64x128x512xf32, #tpu.memory_space<vmem>>, vector<64x128x512xf32>,
        %reduce_max3A_77 = arith.constant dense<0xFF800000> : vector<64x512xf32>
        %reduce_max3A_78 = vector.multi_reduction <maximumf>, %select_n3A_72, %reduce_max3A_77 [1] : vector<64x128x512xf32> to vector<64x512xf32>
        %swap3A_79 = arith.constant 0 : index
        %swap3A_80 = arith.constant 0 : index
        %swap3A_81 = vector.load %arg5[%swap3A_79, %swap3A_80] : memref<64x512xf32, #tpu.memory_space<vmem>>, vector<64x512xf32>
        tpu.vector_store %arg5[%swap3A_79, %swap3A_80], %reduce_max3A_78 {strides = array<i32>} : memref<64x512xf32, #tpu.memory_space<vmem>>, vector<64x512xf32>,
        %add3A_82 = arith.addi %mul3A_31, %reduce_min3A_67 : vector<64x512xi32>
        %concatenate3A = tpu.concatenate %get3A_47, %get3A_44 in 0 : vector<16x512xf32>, vector<64x512xf32> -> vector<80x512xf32>
        %get3A_83 = arith.constant 0 : index
        %get3A_84 = arith.constant 0 : index
        %get3A_85 = vector.load %arg7[%get3A_83, %get3A_84] : memref<16x512xi32, #tpu.memory_space<vmem>>, vector<16x512xi32>
        %concatenate3A_86 = tpu.concatenate %get3A_85, %add3A_82 in 0 : vector<16x512xi32>, vector<64x512xi32> -> vector<80x512xi32>
        %reduce_max3A_87 = arith.constant dense<0xFF800000> : vector<512xf32>
        %reduce_max3A_88 = vector.multi_reduction <maximumf>, %concatenate3A, %reduce_max3A_87 [0] : vector<80x512xf32> to vector<512xf32>
        %broadcast_in_dim3A_89 = vector.shape_cast %reduce_max3A_88 : vector<512xf32> to vector<1x512xf32>
        %ge3A_90 = vector.broadcast %broadcast_in_dim3A_89 : vector<1x512xf32> to vector<80x512xf32>
        %ge3A_91 = arith.cmpf oge, %concatenate3A, %ge3A_90 : vector<80x512xf32>
        %jit3A_92 = arith.constant 8192 : i32
        %broadcast_in_dim3A_93 = vector.broadcast %jit3A_92 : i32 to vector<80x512xi32>
        %select_n3A_94 = arith.select %ge3A_91, %concatenate3A_86, %broadcast_in_dim3A_93 : vector<80x512xi1>, vector<80x512xi32>
        %reduce_min3A_95 = arith.constant dense<2147483647> : vector<512xi32>
        %reduce_min3A_96 = vector.multi_reduction <minsi>, %select_n3A_94, %reduce_min3A_95 [0] : vector<80x512xi32> to vector<512xi32>
        %broadcast_in_dim3A_97 = vector.shape_cast %reduce_min3A_96 : vector<512xi32> to vector<1x512xi32>
        %eq3A_98 = vector.broadcast %broadcast_in_dim3A_97 : vector<1x512xi32> to vector<80x512xi32>
        %eq3A_99 = arith.cmpi eq, %concatenate3A_86, %eq3A_98 : vector<80x512xi32>
        %jit3A_100 = arith.constant -3.000000e+38 : f32
        %broadcast_in_dim3A_101 = vector.broadcast %jit3A_100 : f32 to vector<80x512xf32>
        %select_n3A_102 = arith.select %eq3A_99, %broadcast_in_dim3A_101, %concatenate3A : vector<80x512xi1>, vector<80x512xf32>
        %reduce_max3A_103 = arith.constant dense<0xFF800000> : vector<512xf32>
        %reduce_max3A_104 = vector.multi_reduction <maximumf>, %select_n3A_102, %reduce_max3A_103 [0] : vector<80x512xf32> to vector<512xf32>
        %broadcast_in_dim3A_105 = vector.shape_cast %reduce_max3A_104 : vector<512xf32> to vector<1x512xf32>
        %ge3A_106 = vector.broadcast %broadcast_in_dim3A_105 : vector<1x512xf32> to vector<80x512xf32>
        %ge3A_107 = arith.cmpf oge, %select_n3A_102, %ge3A_106 : vector<80x512xf32>
        %jit3A_108 = arith.constant 8192 : i32
        %broadcast_in_dim3A_109 = vector.broadcast %jit3A_108 : i32 to vector<80x512xi32>
        %select_n3A_110 = arith.select %ge3A_107, %concatenate3A_86, %broadcast_in_dim3A_109 : vector<80x512xi1>, vector<80x512xi32>
        %reduce_min3A_111 = arith.constant dense<2147483647> : vector<512xi32>
        %reduce_min3A_112 = vector.multi_reduction <minsi>, %select_n3A_110, %reduce_min3A_111 [0] : vector<80x512xi32> to vector<512xi32>
        %broadcast_in_dim3A_113 = vector.shape_cast %reduce_min3A_112 : vector<512xi32> to vector<1x512xi32>
        %eq3A_114 = vector.broadcast %broadcast_in_dim3A_113 : vector<1x512xi32> to vector<80x512xi32>
        %eq3A_115 = arith.cmpi eq, %concatenate3A_86, %eq3A_114 : vector<80x512xi32>
        %jit3A_116 = arith.constant -3.000000e+38 : f32
        %broadcast_in_dim3A_117 = vector.broadcast %jit3A_116 : f32 to vector<80x512xf32>
        %select_n3A_118 = arith.select %eq3A_115, %broadcast_in_dim3A_117, %select_n3A_102 : vector<80x512xi1>, vector<80x512xf32>
        %reduce_max3A_119 = arith.constant dense<0xFF800000> : vector<512xf32>
        %reduce_max3A_120 = vector.multi_reduction <maximumf>, %select_n3A_118, %reduce_max3A_119 [0] : vector<80x512xf32> to vector<512xf32>
        %broadcast_in_dim3A_121 = vector.shape_cast %reduce_max3A_120 : vector<512xf32> to vector<1x512xf32>
        %ge3A_122 = vector.broadcast %broadcast_in_dim3A_121 : vector<1x512xf32> to vector<80x512xf32>
        %ge3A_123 = arith.cmpf oge, %select_n3A_118, %ge3A_122 : vector<80x512xf32>
        %jit3A_124 = arith.constant 8192 : i32
        %broadcast_in_dim3A_125 = vector.broadcast %jit3A_124 : i32 to vector<80x512xi32>
        %select_n3A_126 = arith.select %ge3A_123, %concatenate3A_86, %broadcast_in_dim3A_125 : vector<80x512xi1>, vector<80x512xi32>
        %reduce_min3A_127 = arith.constant dense<2147483647> : vector<512xi32>
        %reduce_min3A_128 = vector.multi_reduction <minsi>, %select_n3A_126, %reduce_min3A_127 [0] : vector<80x512xi32> to vector<512xi32>
        %broadcast_in_dim3A_129 = vector.shape_cast %reduce_min3A_128 : vector<512xi32> to vector<1x512xi32>
        %eq3A_130 = vector.broadcast %broadcast_in_dim3A_129 : vector<1x512xi32> to vector<80x512xi32>
        %eq3A_131 = arith.cmpi eq, %concatenate3A_86, %eq3A_130 : vector<80x512xi32>
        %jit3A_132 = arith.constant -3.000000e+38 : f32
        %broadcast_in_dim3A_133 = vector.broadcast %jit3A_132 : f32 to vector<80x512xf32>
        %select_n3A_134 = arith.select %eq3A_131, %broadcast_in_dim3A_133, %select_n3A_118 : vector<80x512xi1>, vector<80x512xf32>
        %reduce_max3A_135 = arith.constant dense<0xFF800000> : vector<512xf32>
        %reduce_max3A_136 = vector.multi_reduction <maximumf>, %select_n3A_134, %reduce_max3A_135 [0] : vector<80x512xf32> to vector<512xf32>
        %broadcast_in_dim3A_137 = vector.shape_cast %reduce_max3A_136 : vector<512xf32> to vector<1x512xf32>
        %ge3A_138 = vector.broadcast %broadcast_in_dim3A_137 : vector<1x512xf32> to vector<80x512xf32>
        %ge3A_139 = arith.cmpf oge, %select_n3A_134, %ge3A_138 : vector<80x512xf32>
        %jit3A_140 = arith.constant 8192 : i32
        %broadcast_in_dim3A_141 = vector.broadcast %jit3A_140 : i32 to vector<80x512xi32>
        %select_n3A_142 = arith.select %ge3A_139, %concatenate3A_86, %broadcast_in_dim3A_141 : vector<80x512xi1>, vector<80x512xi32>
        %reduce_min3A_143 = arith.constant dense<2147483647> : vector<512xi32>
        %reduce_min3A_144 = vector.multi_reduction <minsi>, %select_n3A_142, %reduce_min3A_143 [0] : vector<80x512xi32> to vector<512xi32>
        %broadcast_in_dim3A_145 = vector.shape_cast %reduce_min3A_144 : vector<512xi32> to vector<1x512xi32>
        %eq3A_146 = vector.broadcast %broadcast_in_dim3A_145 : vector<1x512xi32> to vector<80x512xi32>
        %eq3A_147 = arith.cmpi eq, %concatenate3A_86, %eq3A_146 : vector<80x512xi32>
        %jit3A_148 = arith.constant -3.000000e+38 : f32
        %broadcast_in_dim3A_149 = vector.broadcast %jit3A_148 : f32 to vector<80x512xf32>
        %select_n3A_150 = arith.select %eq3A_147, %broadcast_in_dim3A_149, %select_n3A_134 : vector<80x512xi1>, vector<80x512xf32>
        %reduce_max3A_151 = arith.constant dense<0xFF800000> : vector<512xf32>
        %reduce_max3A_152 = vector.multi_reduction <maximumf>, %select_n3A_150, %reduce_max3A_151 [0] : vector<80x512xf32> to vector<512xf32>
        %broadcast_in_dim3A_153 = vector.shape_cast %reduce_max3A_152 : vector<512xf32> to vector<1x512xf32>
        %ge3A_154 = vector.broadcast %broadcast_in_dim3A_153 : vector<1x512xf32> to vector<80x512xf32>
        %ge3A_155 = arith.cmpf oge, %select_n3A_150, %ge3A_154 : vector<80x512xf32>
        %jit3A_156 = arith.constant 8192 : i32
        %broadcast_in_dim3A_157 = vector.broadcast %jit3A_156 : i32 to vector<80x512xi32>
        %select_n3A_158 = arith.select %ge3A_155, %concatenate3A_86, %broadcast_in_dim3A_157 : vector<80x512xi1>, vector<80x512xi32>
        %reduce_min3A_159 = arith.constant dense<2147483647> : vector<512xi32>
        %reduce_min3A_160 = vector.multi_reduction <minsi>, %select_n3A_158, %reduce_min3A_159 [0] : vector<80x512xi32> to vector<512xi32>
        %broadcast_in_dim3A_161 = vector.shape_cast %reduce_min3A_160 : vector<512xi32> to vector<1x512xi32>
        %eq3A_162 = vector.broadcast %broadcast_in_dim3A_161 : vector<1x512xi32> to vector<80x512xi32>
        %eq3A_163 = arith.cmpi eq, %concatenate3A_86, %eq3A_162 : vector<80x512xi32>
        %jit3A_164 = arith.constant -3.000000e+38 : f32
        %broadcast_in_dim3A_165 = vector.broadcast %jit3A_164 : f32 to vector<80x512xf32>
        %select_n3A_166 = arith.select %eq3A_163, %broadcast_in_dim3A_165, %select_n3A_150 : vector<80x512xi1>, vector<80x512xf32>
        %reduce_max3A_167 = arith.constant dense<0xFF800000> : vector<512xf32>
        %reduce_max3A_168 = vector.multi_reduction <maximumf>, %select_n3A_166, %reduce_max3A_167 [0] : vector<80x512xf32> to vector<512xf32>
        %broadcast_in_dim3A_169 = vector.shape_cast %reduce_max3A_168 : vector<512xf32> to vector<1x512xf32>
        %ge3A_170 = vector.broadcast %broadcast_in_dim3A_169 : vector<1x512xf32> to vector<80x512xf32>
        %ge3A_171 = arith.cmpf oge, %select_n3A_166, %ge3A_170 : vector<80x512xf32>
        %jit3A_172 = arith.constant 8192 : i32
        %broadcast_in_dim3A_173 = vector.broadcast %jit3A_172 : i32 to vector<80x512xi32>
        %select_n3A_174 = arith.select %ge3A_171, %concatenate3A_86, %broadcast_in_dim3A_173 : vector<80x512xi1>, vector<80x512xi32>
        %reduce_min3A_175 = arith.constant dense<2147483647> : vector<512xi32>
        %reduce_min3A_176 = vector.multi_reduction <minsi>, %select_n3A_174, %reduce_min3A_175 [0] : vector<80x512xi32> to vector<512xi32>
        %broadcast_in_dim3A_177 = vector.shape_cast %reduce_min3A_176 : vector<512xi32> to vector<1x512xi32>
        %eq3A_178 = vector.broadcast %broadcast_in_dim3A_177 : vector<1x512xi32> to vector<80x512xi32>
        %eq3A_179 = arith.cmpi eq, %concatenate3A_86, %eq3A_178 : vector<80x512xi32>
        %jit3A_180 = arith.constant -3.000000e+38 : f32
        %broadcast_in_dim3A_181 = vector.broadcast %jit3A_180 : f32 to vector<80x512xf32>
        %select_n3A_182 = arith.select %eq3A_179, %broadcast_in_dim3A_181, %select_n3A_166 : vector<80x512xi1>, vector<80x512xf32>
        %reduce_max3A_183 = arith.constant dense<0xFF800000> : vector<512xf32>
        %reduce_max3A_184 = vector.multi_reduction <maximumf>, %select_n3A_182, %reduce_max3A_183 [0] : vector<80x512xf32> to vector<512xf32>
        %broadcast_in_dim3A_185 = vector.shape_cast %reduce_max3A_184 : vector<512xf32> to vector<1x512xf32>
        %ge3A_186 = vector.broadcast %broadcast_in_dim3A_185 : vector<1x512xf32> to vector<80x512xf32>
        %ge3A_187 = arith.cmpf oge, %select_n3A_182, %ge3A_186 : vector<80x512xf32>
        %jit3A_188 = arith.constant 8192 : i32
        %broadcast_in_dim3A_189 = vector.broadcast %jit3A_188 : i32 to vector<80x512xi32>
        %select_n3A_190 = arith.select %ge3A_187, %concatenate3A_86, %broadcast_in_dim3A_189 : vector<80x512xi1>, vector<80x512xi32>
        %reduce_min3A_191 = arith.constant dense<2147483647> : vector<512xi32>
        %reduce_min3A_192 = vector.multi_reduction <minsi>, %select_n3A_190, %reduce_min3A_191 [0] : vector<80x512xi32> to vector<512xi32>
        %broadcast_in_dim3A_193 = vector.shape_cast %reduce_min3A_192 : vector<512xi32> to vector<1x512xi32>
        %eq3A_194 = vector.broadcast %broadcast_in_dim3A_193 : vector<1x512xi32> to vector<80x512xi32>
        %eq3A_195 = arith.cmpi eq, %concatenate3A_86, %eq3A_194 : vector<80x512xi32>
        %jit3A_196 = arith.constant -3.000000e+38 : f32
        %broadcast_in_dim3A_197 = vector.broadcast %jit3A_196 : f32 to vector<80x512xf32>
        %select_n3A_198 = arith.select %eq3A_195, %broadcast_in_dim3A_197, %select_n3A_182 : vector<80x512xi1>, vector<80x512xf32>
        %reduce_max3A_199 = arith.constant dense<0xFF800000> : vector<512xf32>
        %reduce_max3A_200 = vector.multi_reduction <maximumf>, %select_n3A_198, %reduce_max3A_199 [0] : vector<80x512xf32> to vector<512xf32>
        %broadcast_in_dim3A_201 = vector.shape_cast %reduce_max3A_200 : vector<512xf32> to vector<1x512xf32>
        %ge3A_202 = vector.broadcast %broadcast_in_dim3A_201 : vector<1x512xf32> to vector<80x512xf32>
        %ge3A_203 = arith.cmpf oge, %select_n3A_198, %ge3A_202 : vector<80x512xf32>
        %jit3A_204 = arith.constant 8192 : i32
        %broadcast_in_dim3A_205 = vector.broadcast %jit3A_204 : i32 to vector<80x512xi32>
        %select_n3A_206 = arith.select %ge3A_203, %concatenate3A_86, %broadcast_in_dim3A_205 : vector<80x512xi1>, vector<80x512xi32>
        %reduce_min3A_207 = arith.constant dense<2147483647> : vector<512xi32>
        %reduce_min3A_208 = vector.multi_reduction <minsi>, %select_n3A_206, %reduce_min3A_207 [0] : vector<80x512xi32> to vector<512xi32>
        %broadcast_in_dim3A_209 = vector.shape_cast %reduce_min3A_208 : vector<512xi32> to vector<1x512xi32>
        %eq3A_210 = vector.broadcast %broadcast_in_dim3A_209 : vector<1x512xi32> to vector<80x512xi32>
        %eq3A_211 = arith.cmpi eq, %concatenate3A_86, %eq3A_210 : vector<80x512xi32>
        %jit3A_212 = arith.constant -3.000000e+38 : f32
        %broadcast_in_dim3A_213 = vector.broadcast %jit3A_212 : f32 to vector<80x512xf32>
        %select_n3A_214 = arith.select %eq3A_211, %broadcast_in_dim3A_213, %select_n3A_198 : vector<80x512xi1>, vector<80x512xf32>
        %reduce_max3A_215 = arith.constant dense<0xFF800000> : vector<512xf32>
        %reduce_max3A_216 = vector.multi_reduction <maximumf>, %select_n3A_214, %reduce_max3A_215 [0] : vector<80x512xf32> to vector<512xf32>
        %broadcast_in_dim3A_217 = vector.shape_cast %reduce_max3A_216 : vector<512xf32> to vector<1x512xf32>
        %ge3A_218 = vector.broadcast %broadcast_in_dim3A_217 : vector<1x512xf32> to vector<80x512xf32>
        %ge3A_219 = arith.cmpf oge, %select_n3A_214, %ge3A_218 : vector<80x512xf32>
        %jit3A_220 = arith.constant 8192 : i32
        %broadcast_in_dim3A_221 = vector.broadcast %jit3A_220 : i32 to vector<80x512xi32>
        %select_n3A_222 = arith.select %ge3A_219, %concatenate3A_86, %broadcast_in_dim3A_221 : vector<80x512xi1>, vector<80x512xi32>
        %reduce_min3A_223 = arith.constant dense<2147483647> : vector<512xi32>
        %reduce_min3A_224 = vector.multi_reduction <minsi>, %select_n3A_222, %reduce_min3A_223 [0] : vector<80x512xi32> to vector<512xi32>
        %broadcast_in_dim3A_225 = vector.shape_cast %reduce_min3A_224 : vector<512xi32> to vector<1x512xi32>
        %eq3A_226 = vector.broadcast %broadcast_in_dim3A_225 : vector<1x512xi32> to vector<80x512xi32>
        %eq3A_227 = arith.cmpi eq, %concatenate3A_86, %eq3A_226 : vector<80x512xi32>
        %jit3A_228 = arith.constant -3.000000e+38 : f32
        %broadcast_in_dim3A_229 = vector.broadcast %jit3A_228 : f32 to vector<80x512xf32>
        %select_n3A_230 = arith.select %eq3A_227, %broadcast_in_dim3A_229, %select_n3A_214 : vector<80x512xi1>, vector<80x512xf32>
        %reduce_max3A_231 = arith.constant dense<0xFF800000> : vector<512xf32>
        %reduce_max3A_232 = vector.multi_reduction <maximumf>, %select_n3A_230, %reduce_max3A_231 [0] : vector<80x512xf32> to vector<512xf32>
        %broadcast_in_dim3A_233 = vector.shape_cast %reduce_max3A_232 : vector<512xf32> to vector<1x512xf32>
        %ge3A_234 = vector.broadcast %broadcast_in_dim3A_233 : vector<1x512xf32> to vector<80x512xf32>
        %ge3A_235 = arith.cmpf oge, %select_n3A_230, %ge3A_234 : vector<80x512xf32>
        %jit3A_236 = arith.constant 8192 : i32
        %broadcast_in_dim3A_237 = vector.broadcast %jit3A_236 : i32 to vector<80x512xi32>
        %select_n3A_238 = arith.select %ge3A_235, %concatenate3A_86, %broadcast_in_dim3A_237 : vector<80x512xi1>, vector<80x512xi32>
        %reduce_min3A_239 = arith.constant dense<2147483647> : vector<512xi32>
        %reduce_min3A_240 = vector.multi_reduction <minsi>, %select_n3A_238, %reduce_min3A_239 [0] : vector<80x512xi32> to vector<512xi32>
        %broadcast_in_dim3A_241 = vector.shape_cast %reduce_min3A_240 : vector<512xi32> to vector<1x512xi32>
        %eq3A_242 = vector.broadcast %broadcast_in_dim3A_241 : vector<1x512xi32> to vector<80x512xi32>
        %eq3A_243 = arith.cmpi eq, %concatenate3A_86, %eq3A_242 : vector<80x512xi32>
        %jit3A_244 = arith.constant -3.000000e+38 : f32
        %broadcast_in_dim3A_245 = vector.broadcast %jit3A_244 : f32 to vector<80x512xf32>
        %select_n3A_246 = arith.select %eq3A_243, %broadcast_in_dim3A_245, %select_n3A_230 : vector<80x512xi1>, vector<80x512xf32>
        %reduce_max3A_247 = arith.constant dense<0xFF800000> : vector<512xf32>
        %reduce_max3A_248 = vector.multi_reduction <maximumf>, %select_n3A_246, %reduce_max3A_247 [0] : vector<80x512xf32> to vector<512xf32>
        %broadcast_in_dim3A_249 = vector.shape_cast %reduce_max3A_248 : vector<512xf32> to vector<1x512xf32>
        %ge3A_250 = vector.broadcast %broadcast_in_dim3A_249 : vector<1x512xf32> to vector<80x512xf32>
        %ge3A_251 = arith.cmpf oge, %select_n3A_246, %ge3A_250 : vector<80x512xf32>
        %jit3A_252 = arith.constant 8192 : i32
        %broadcast_in_dim3A_253 = vector.broadcast %jit3A_252 : i32 to vector<80x512xi32>
        %select_n3A_254 = arith.select %ge3A_251, %concatenate3A_86, %broadcast_in_dim3A_253 : vector<80x512xi1>, vector<80x512xi32>
        %reduce_min3A_255 = arith.constant dense<2147483647> : vector<512xi32>
        %reduce_min3A_256 = vector.multi_reduction <minsi>, %select_n3A_254, %reduce_min3A_255 [0] : vector<80x512xi32> to vector<512xi32>
        %broadcast_in_dim3A_257 = vector.shape_cast %reduce_min3A_256 : vector<512xi32> to vector<1x512xi32>
        %eq3A_258 = vector.broadcast %broadcast_in_dim3A_257 : vector<1x512xi32> to vector<80x512xi32>
        %eq3A_259 = arith.cmpi eq, %concatenate3A_86, %eq3A_258 : vector<80x512xi32>
        %jit3A_260 = arith.constant -3.000000e+38 : f32
        %broadcast_in_dim3A_261 = vector.broadcast %jit3A_260 : f32 to vector<80x512xf32>
        %select_n3A_262 = arith.select %eq3A_259, %broadcast_in_dim3A_261, %select_n3A_246 : vector<80x512xi1>, vector<80x512xf32>
        %reduce_max3A_263 = arith.constant dense<0xFF800000> : vector<512xf32>
        %reduce_max3A_264 = vector.multi_reduction <maximumf>, %select_n3A_262, %reduce_max3A_263 [0] : vector<80x512xf32> to vector<512xf32>
        %broadcast_in_dim3A_265 = vector.shape_cast %reduce_max3A_264 : vector<512xf32> to vector<1x512xf32>
        %ge3A_266 = vector.broadcast %broadcast_in_dim3A_265 : vector<1x512xf32> to vector<80x512xf32>
        %ge3A_267 = arith.cmpf oge, %select_n3A_262, %ge3A_266 : vector<80x512xf32>
        %jit3A_268 = arith.constant 8192 : i32
        %broadcast_in_dim3A_269 = vector.broadcast %jit3A_268 : i32 to vector<80x512xi32>
        %select_n3A_270 = arith.select %ge3A_267, %concatenate3A_86, %broadcast_in_dim3A_269 : vector<80x512xi1>, vector<80x512xi32>
        %reduce_min3A_271 = arith.constant dense<2147483647> : vector<512xi32>
        %reduce_min3A_272 = vector.multi_reduction <minsi>, %select_n3A_270, %reduce_min3A_271 [0] : vector<80x512xi32> to vector<512xi32>
        %broadcast_in_dim3A_273 = vector.shape_cast %reduce_min3A_272 : vector<512xi32> to vector<1x512xi32>
        %eq3A_274 = vector.broadcast %broadcast_in_dim3A_273 : vector<1x512xi32> to vector<80x512xi32>
        %eq3A_275 = arith.cmpi eq, %concatenate3A_86, %eq3A_274 : vector<80x512xi32>
        %jit3A_276 = arith.constant -3.000000e+38 : f32
        %broadcast_in_dim3A_277 = vector.broadcast %jit3A_276 : f32 to vector<80x512xf32>
        %select_n3A_278 = arith.select %eq3A_275, %broadcast_in_dim3A_277, %select_n3A_262 : vector<80x512xi1>, vector<80x512xf32>
        %reduce_max3A_279 = arith.constant dense<0xFF800000> : vector<512xf32>
        %reduce_max3A_280 = vector.multi_reduction <maximumf>, %select_n3A_278, %reduce_max3A_279 [0] : vector<80x512xf32> to vector<512xf32>
        %broadcast_in_dim3A_281 = vector.shape_cast %reduce_max3A_280 : vector<512xf32> to vector<1x512xf32>
        %ge3A_282 = vector.broadcast %broadcast_in_dim3A_281 : vector<1x512xf32> to vector<80x512xf32>
        %ge3A_283 = arith.cmpf oge, %select_n3A_278, %ge3A_282 : vector<80x512xf32>
        %jit3A_284 = arith.constant 8192 : i32
        %broadcast_in_dim3A_285 = vector.broadcast %jit3A_284 : i32 to vector<80x512xi32>
        %select_n3A_286 = arith.select %ge3A_283, %concatenate3A_86, %broadcast_in_dim3A_285 : vector<80x512xi1>, vector<80x512xi32>
        %reduce_min3A_287 = arith.constant dense<2147483647> : vector<512xi32>
        %reduce_min3A_288 = vector.multi_reduction <minsi>, %select_n3A_286, %reduce_min3A_287 [0] : vector<80x512xi32> to vector<512xi32>
        %broadcast_in_dim3A_289 = vector.shape_cast %reduce_min3A_288 : vector<512xi32> to vector<1x512xi32>
        %eq3A_290 = vector.broadcast %broadcast_in_dim3A_289 : vector<1x512xi32> to vector<80x512xi32>
        %eq3A_291 = arith.cmpi eq, %concatenate3A_86, %eq3A_290 : vector<80x512xi32>
        %jit3A_292 = arith.constant -3.000000e+38 : f32
        %broadcast_in_dim3A_293 = vector.broadcast %jit3A_292 : f32 to vector<80x512xf32>
        %select_n3A_294 = arith.select %eq3A_291, %broadcast_in_dim3A_293, %select_n3A_278 : vector<80x512xi1>, vector<80x512xf32>
        %reduce_max3A_295 = arith.constant dense<0xFF800000> : vector<512xf32>
        %reduce_max3A_296 = vector.multi_reduction <maximumf>, %select_n3A_294, %reduce_max3A_295 [0] : vector<80x512xf32> to vector<512xf32>
        %broadcast_in_dim3A_297 = vector.shape_cast %reduce_max3A_296 : vector<512xf32> to vector<1x512xf32>
        %ge3A_298 = vector.broadcast %broadcast_in_dim3A_297 : vector<1x512xf32> to vector<80x512xf32>
        %ge3A_299 = arith.cmpf oge, %select_n3A_294, %ge3A_298 : vector<80x512xf32>
        %jit3A_300 = arith.constant 8192 : i32
        %broadcast_in_dim3A_301 = vector.broadcast %jit3A_300 : i32 to vector<80x512xi32>
        %select_n3A_302 = arith.select %ge3A_299, %concatenate3A_86, %broadcast_in_dim3A_301 : vector<80x512xi1>, vector<80x512xi32>
        %reduce_min3A_303 = arith.constant dense<2147483647> : vector<512xi32>
        %reduce_min3A_304 = vector.multi_reduction <minsi>, %select_n3A_302, %reduce_min3A_303 [0] : vector<80x512xi32> to vector<512xi32>
        %broadcast_in_dim3A_305 = vector.shape_cast %reduce_min3A_304 : vector<512xi32> to vector<1x512xi32>
        %eq3A_306 = vector.broadcast %broadcast_in_dim3A_305 : vector<1x512xi32> to vector<80x512xi32>
        %eq3A_307 = arith.cmpi eq, %concatenate3A_86, %eq3A_306 : vector<80x512xi32>
        %jit3A_308 = arith.constant -3.000000e+38 : f32
        %broadcast_in_dim3A_309 = vector.broadcast %jit3A_308 : f32 to vector<80x512xf32>
        %select_n3A_310 = arith.select %eq3A_307, %broadcast_in_dim3A_309, %select_n3A_294 : vector<80x512xi1>, vector<80x512xf32>
        %reduce_max3A_311 = arith.constant dense<0xFF800000> : vector<512xf32>
        %reduce_max3A_312 = vector.multi_reduction <maximumf>, %select_n3A_310, %reduce_max3A_311 [0] : vector<80x512xf32> to vector<512xf32>
        %broadcast_in_dim3A_313 = vector.shape_cast %reduce_max3A_312 : vector<512xf32> to vector<1x512xf32>
        %ge3A_314 = vector.broadcast %broadcast_in_dim3A_313 : vector<1x512xf32> to vector<80x512xf32>
        %ge3A_315 = arith.cmpf oge, %select_n3A_310, %ge3A_314 : vector<80x512xf32>
        %jit3A_316 = arith.constant 8192 : i32
        %broadcast_in_dim3A_317 = vector.broadcast %jit3A_316 : i32 to vector<80x512xi32>
        %select_n3A_318 = arith.select %ge3A_315, %concatenate3A_86, %broadcast_in_dim3A_317 : vector<80x512xi1>, vector<80x512xi32>
        %reduce_min3A_319 = arith.constant dense<2147483647> : vector<512xi32>
        %reduce_min3A_320 = vector.multi_reduction <minsi>, %select_n3A_318, %reduce_min3A_319 [0] : vector<80x512xi32> to vector<512xi32>
        %broadcast_in_dim3A_321 = vector.shape_cast %reduce_min3A_320 : vector<512xi32> to vector<1x512xi32>
        %eq3A_322 = vector.broadcast %broadcast_in_dim3A_321 : vector<1x512xi32> to vector<80x512xi32>
        %eq3A_323 = arith.cmpi eq, %concatenate3A_86, %eq3A_322 : vector<80x512xi32>
        %jit3A_324 = arith.constant -3.000000e+38 : f32
        %broadcast_in_dim3A_325 = vector.broadcast %jit3A_324 : f32 to vector<80x512xf32>
        %select_n3A_326 = arith.select %eq3A_323, %broadcast_in_dim3A_325, %select_n3A_310 : vector<80x512xi1>, vector<80x512xf32>
        %reduce_max3A_327 = arith.constant dense<0xFF800000> : vector<512xf32>
        %reduce_max3A_328 = vector.multi_reduction <maximumf>, %select_n3A_326, %reduce_max3A_327 [0] : vector<80x512xf32> to vector<512xf32>
        %broadcast_in_dim3A_329 = vector.shape_cast %reduce_max3A_328 : vector<512xf32> to vector<1x512xf32>
        %ge3A_330 = vector.broadcast %broadcast_in_dim3A_329 : vector<1x512xf32> to vector<80x512xf32>
        %ge3A_331 = arith.cmpf oge, %select_n3A_326, %ge3A_330 : vector<80x512xf32>
        %jit3A_332 = arith.constant 8192 : i32
        %broadcast_in_dim3A_333 = vector.broadcast %jit3A_332 : i32 to vector<80x512xi32>
        %select_n3A_334 = arith.select %ge3A_331, %concatenate3A_86, %broadcast_in_dim3A_333 : vector<80x512xi1>, vector<80x512xi32>
        %reduce_min3A_335 = arith.constant dense<2147483647> : vector<512xi32>
        %reduce_min3A_336 = vector.multi_reduction <minsi>, %select_n3A_334, %reduce_min3A_335 [0] : vector<80x512xi32> to vector<512xi32>
        %broadcast_in_dim3A_337 = vector.shape_cast %reduce_min3A_336 : vector<512xi32> to vector<1x512xi32>
        %concatenate3A_338 = tpu.concatenate %broadcast_in_dim3A_89, %broadcast_in_dim3A_105, %broadcast_in_dim3A_121, %broadcast_in_dim3A_137, %broadcast_in_dim3A_153, %broadcast_in_dim3A_169, %broadcast_in_dim3A_185, %broadcast_in_dim3A_201, %broadcast_in_dim3A_217, %broadcast_in_dim3A_233, %broadcast_in_dim3A_249, %broadcast_in_dim3A_265, %broadcast_in_dim3A_281, %broadcast_in_dim3A_297, %broadcast_in_dim3A_313, %broadcast_in_dim3A_329 in 0 : vector<1x512xf32>, vector<1x512xf32>, vector<1x512xf32>, vector<1x512xf32>, vector<1x512xf32>, vector<1x512xf32>, vector<1x512xf32>, vector<1x512xf32>, vector<1x512xf32>, vector<1x512xf32>, vector<1x512xf32>, vector<1x512xf32>, vector<1x512xf32>, vector<1x512xf32>, vector<1x512xf32>, vector<1x512xf32> -> vector<16x512xf32>
        %concatenate3A_339 = tpu.concatenate %broadcast_in_dim3A_97, %broadcast_in_dim3A_113, %broadcast_in_dim3A_129, %broadcast_in_dim3A_145, %broadcast_in_dim3A_161, %broadcast_in_dim3A_177, %broadcast_in_dim3A_193, %broadcast_in_dim3A_209, %broadcast_in_dim3A_225, %broadcast_in_dim3A_241, %broadcast_in_dim3A_257, %broadcast_in_dim3A_273, %broadcast_in_dim3A_289, %broadcast_in_dim3A_305, %broadcast_in_dim3A_321, %broadcast_in_dim3A_337 in 0 : vector<1x512xi32>, vector<1x512xi32>, vector<1x512xi32>, vector<1x512xi32>, vector<1x512xi32>, vector<1x512xi32>, vector<1x512xi32>, vector<1x512xi32>, vector<1x512xi32>, vector<1x512xi32>, vector<1x512xi32>, vector<1x512xi32>, vector<1x512xi32>, vector<1x512xi32>, vector<1x512xi32>, vector<1x512xi32> -> vector<16x512xi32>
        %swap3A_340 = arith.constant 0 : index
        %swap3A_341 = arith.constant 0 : index
        %swap3A_342 = vector.load %arg6[%swap3A_340, %swap3A_341] : memref<16x512xf32, #tpu.memory_space<vmem>>, vector<16x512xf32>
        tpu.vector_store %arg6[%swap3A_340, %swap3A_341], %concatenate3A_338 {strides = array<i32>} : memref<16x512xf32, #tpu.memory_space<vmem>>, vector<16x512xf32>,
        %swap3A_343 = arith.constant 0 : index
        %swap3A_344 = arith.constant 0 : index
        %swap3A_345 = vector.load %arg7[%swap3A_343, %swap3A_344] : memref<16x512xi32, #tpu.memory_space<vmem>>, vector<16x512xi32>
        tpu.vector_store %arg7[%swap3A_343, %swap3A_344], %concatenate3A_339 {strides = array<i32>} : memref<16x512xi32, #tpu.memory_space<vmem>>, vector<16x512xi32>,
      } else {
      }
    }
    %get3A_35 = arith.constant 0 : index
    %get3A_36 = arith.constant 0 : index
    %get3A_37 = vector.load %arg7[%get3A_35, %get3A_36] : memref<16x512xi32, #tpu.memory_space<vmem>>, vector<16x512xi32>
    %swap3A_38 = arith.constant 0 : index
    %swap3A_39 = arith.constant 0 : index
    %swap3A_40 = vector.load %arg3[%swap3A_38, %swap3A_39] : memref<16x512xi32, #tpu.memory_space<vmem>>, vector<16x512xi32>
    tpu.vector_store %arg3[%swap3A_38, %swap3A_39], %get3A_37 {strides = array<i32>} : memref<16x512xi32, #tpu.memory_space<vmem>>, vector<16x512xi32>,
    return
  }
  func.func @transform_0(%arg0: i32) -> (i32, i32) {
    %c0_i32 = arith.constant 0 : i32
    %c0_i32_0 = arith.constant 0 : i32
    %c0_i32_1 = arith.constant 0 : i32
    return %c0_i32, %c0_i32_0 : i32, i32
  }
  func.func @transform_1(%arg0: i32) -> (i32, i32) {
    %c0_i32 = arith.constant 0 : i32
    %c0_i32_0 = arith.constant 0 : i32
    return %c0_i32, %arg0 : i32, i32
  }
  func.func @transform_2(%arg0: i32) -> (i32, i32) {
    %c0_i32 = arith.constant 0 : i32
    %c0_i32_0 = arith.constant 0 : i32
    return %c0_i32, %arg0 : i32, i32
  }
}

module attributes {stable_mosaic.version = 14 : i64} {
  func.func @_p2n_body(%arg0: i32, %arg1: memref<8192x80xf32, #tpu.memory_space<vmem>>, %arg2: memref<512x64xf32, #tpu.memory_space<vmem>>, %arg3: memref<512x3xf32, #tpu.memory_space<vmem>>, %arg4: memref<64x64xf32, #tpu.memory_space<vmem>>, %arg5: memref<64x64xf32, #tpu.memory_space<vmem>>, %arg6: memref<3x64xf32, #tpu.memory_space<vmem>>, %arg7: memref<1x64xf32, #tpu.memory_space<vmem>>, %arg8: memref<64x64xf32, #tpu.memory_space<vmem>>, %arg9: memref<1x64xf32, #tpu.memory_space<vmem>>, %arg10: memref<3x8xf32, #tpu.memory_space<vmem>>, %arg11: memref<1x8xf32, #tpu.memory_space<vmem>>, %arg12: memref<8x8xf32, #tpu.memory_space<vmem>>, %arg13: memref<1x8xf32, #tpu.memory_space<vmem>>, %arg14: memref<8x64xf32, #tpu.memory_space<vmem>>, %arg15: memref<1x64xf32, #tpu.memory_space<vmem>>, %arg16: memref<512x80xf32, #tpu.memory_space<vmem>>) attributes {dimension_semantics = [#tpu.dimension_semantics<arbitrary>], iteration_bounds = array<i64: 16>, scalar_prefetch = 0 : i64, scratch_operands = 0 : i64, tpu.core_type = #tpu.core_type<tc>, window_params = [{transform_indices = @transform_0, window_bounds = array<i64: 8192, 80>}, {transform_indices = @transform_1, window_bounds = array<i64: 512, 64>}, {transform_indices = @transform_2, window_bounds = array<i64: 512, 3>}, {pipeline_mode = #tpu.pipeline_mode<synchronous>, transform_indices = @transform_3, window_bounds = array<i64: 64, 64>}, {pipeline_mode = #tpu.pipeline_mode<synchronous>, transform_indices = @transform_4, window_bounds = array<i64: 64, 64>}, {pipeline_mode = #tpu.pipeline_mode<synchronous>, transform_indices = @transform_5, window_bounds = array<i64: 3, 64>}, {pipeline_mode = #tpu.pipeline_mode<synchronous>, transform_indices = @transform_6, window_bounds = array<i64: 1, 64>}, {pipeline_mode = #tpu.pipeline_mode<synchronous>, transform_indices = @transform_7, window_bounds = array<i64: 64, 64>}, {pipeline_mode = #tpu.pipeline_mode<synchronous>, transform_indices = @transform_8, window_bounds = array<i64: 1, 64>}, {pipeline_mode = #tpu.pipeline_mode<synchronous>, transform_indices = @transform_9, window_bounds = array<i64: 3, 8>}, {pipeline_mode = #tpu.pipeline_mode<synchronous>, transform_indices = @transform_10, window_bounds = array<i64: 1, 8>}, {pipeline_mode = #tpu.pipeline_mode<synchronous>, transform_indices = @transform_11, window_bounds = array<i64: 8, 8>}, {pipeline_mode = #tpu.pipeline_mode<synchronous>, transform_indices = @transform_12, window_bounds = array<i64: 1, 8>}, {pipeline_mode = #tpu.pipeline_mode<synchronous>, transform_indices = @transform_13, window_bounds = array<i64: 8, 64>}, {pipeline_mode = #tpu.pipeline_mode<synchronous>, transform_indices = @transform_14, window_bounds = array<i64: 1, 64>}, {transform_indices = @transform_15, window_bounds = array<i64: 512, 80>}]} {
    %get3A = arith.constant 0 : index
    %get3A_0 = arith.constant 0 : index
    %get3A_1 = vector.load %arg1[%get3A, %get3A_0] : memref<8192x80xf32, #tpu.memory_space<vmem>>, vector<8192x80xf32>
    %slice3A = vector.extract_strided_slice %get3A_1 {offsets = [0, 0], sizes = [8192, 64], strides = [1, 1]} : vector<8192x80xf32> to vector<8192x64xf32>
    %slice3A_2 = vector.extract_strided_slice %get3A_1 {offsets = [0, 64], sizes = [8192, 3], strides = [1, 1]} : vector<8192x80xf32> to vector<8192x3xf32>
    %get3A_3 = arith.constant 0 : index
    %get3A_4 = arith.constant 0 : index
    %get3A_5 = vector.load %arg3[%get3A_3, %get3A_4] : memref<512x3xf32, #tpu.memory_space<vmem>>, vector<512x3xf32>
    %broadcast_in_dim3A = vector.shape_cast %get3A_5 : vector<512x3xf32> to vector<512x1x3xf32>
    %broadcast_in_dim3A_6 = vector.shape_cast %broadcast_in_dim3A : vector<512x1x3xf32> to vector<512x1x3xf32>
    %broadcast_in_dim3A_7 = vector.broadcast %broadcast_in_dim3A_6 : vector<512x1x3xf32> to vector<512x16x3xf32>
    %reshape3A = vector.shape_cast %broadcast_in_dim3A_7 : vector<512x16x3xf32> to vector<8192x3xf32>
    %sub3A = arith.subf %slice3A_2, %reshape3A : vector<8192x3xf32>
    %get3A_8 = arith.constant 0 : index
    %get3A_9 = arith.constant 0 : index
    %get3A_10 = vector.load %arg2[%get3A_8, %get3A_9] : memref<512x64xf32, #tpu.memory_space<vmem>>, vector<512x64xf32>
    %get3A_11 = arith.constant 0 : index
    %get3A_12 = arith.constant 0 : index
    %get3A_13 = vector.load %arg4[%get3A_11, %get3A_12] : memref<64x64xf32, #tpu.memory_space<vmem>>, vector<64x64xf32>
    %dot_general3A = arith.constant dense<0.000000e+00> : vector<512x64xf32>
    %dot_general3A_14 = tpu.matmul %get3A_10, %get3A_13, %dot_general3A {dimension_numbers = #tpu.dot_dimension_numbers<[1], [0], [0], [1], [0, 0, 1, 1], [], []>, transpose_lhs_hint = false} : vector<512x64xf32>, vector<64x64xf32>, vector<512x64xf32> -> vector<512x64xf32>
    %broadcast_in_dim3A_15 = vector.shape_cast %dot_general3A_14 : vector<512x64xf32> to vector<512x1x64xf32>
    %broadcast_in_dim3A_16 = vector.shape_cast %broadcast_in_dim3A_15 : vector<512x1x64xf32> to vector<512x1x64xf32>
    %broadcast_in_dim3A_17 = vector.broadcast %broadcast_in_dim3A_16 : vector<512x1x64xf32> to vector<512x16x64xf32>
    %reshape3A_18 = vector.shape_cast %broadcast_in_dim3A_17 : vector<512x16x64xf32> to vector<8192x64xf32>
    %get3A_19 = arith.constant 0 : index
    %get3A_20 = arith.constant 0 : index
    %get3A_21 = vector.load %arg5[%get3A_19, %get3A_20] : memref<64x64xf32, #tpu.memory_space<vmem>>, vector<64x64xf32>
    %dot_general3A_22 = arith.constant dense<0.000000e+00> : vector<8192x64xf32>
    %dot_general3A_23 = tpu.matmul %slice3A, %get3A_21, %dot_general3A_22 {dimension_numbers = #tpu.dot_dimension_numbers<[1], [0], [0], [1], [0, 0, 1, 1], [], []>, transpose_lhs_hint = false} : vector<8192x64xf32>, vector<64x64xf32>, vector<8192x64xf32> -> vector<8192x64xf32>
    %add3A = arith.addf %reshape3A_18, %dot_general3A_23 : vector<8192x64xf32>
    %get3A_24 = arith.constant 0 : index
    %get3A_25 = arith.constant 0 : index
    %get3A_26 = vector.load %arg6[%get3A_24, %get3A_25] : memref<3x64xf32, #tpu.memory_space<vmem>>, vector<3x64xf32>
    %dot_general3A_27 = arith.constant dense<0.000000e+00> : vector<8192x64xf32>
    %dot_general3A_28 = tpu.matmul %sub3A, %get3A_26, %dot_general3A_27 {dimension_numbers = #tpu.dot_dimension_numbers<[1], [0], [0], [1], [0, 0, 1, 1], [], []>, transpose_lhs_hint = false} : vector<8192x3xf32>, vector<3x64xf32>, vector<8192x64xf32> -> vector<8192x64xf32>
    %add3A_29 = arith.addf %add3A, %dot_general3A_28 : vector<8192x64xf32>
    %get3A_30 = arith.constant 0 : index
    %get3A_31 = arith.constant 0 : index
    %get3A_32 = vector.load %arg7[%get3A_30, %get3A_31] : memref<1x64xf32, #tpu.memory_space<vmem>>, vector<1x64xf32>
    %add3A_33 = vector.broadcast %get3A_32 : vector<1x64xf32> to vector<8192x64xf32>
    %add3A_34 = arith.addf %add3A_29, %add3A_33 : vector<8192x64xf32>
    %jit3A = arith.constant 0.00999999977 : f32
    %ge3A = arith.constant 0.000000e+00 : f32
    %ge3A_35 = vector.broadcast %ge3A : f32 to vector<8192x64xf32>
    %ge3A_36 = arith.cmpf oge, %add3A_34, %ge3A_35 : vector<8192x64xf32>
    %mul3A = vector.broadcast %jit3A : f32 to vector<8192x64xf32>
    %mul3A_37 = arith.mulf %mul3A, %add3A_34 : vector<8192x64xf32>
    %select_n3A = arith.select %ge3A_36, %add3A_34, %mul3A_37 : vector<8192x64xi1>, vector<8192x64xf32>
    %get3A_38 = arith.constant 0 : index
    %get3A_39 = arith.constant 0 : index
    %get3A_40 = vector.load %arg8[%get3A_38, %get3A_39] : memref<64x64xf32, #tpu.memory_space<vmem>>, vector<64x64xf32>
    %dot_general3A_41 = arith.constant dense<0.000000e+00> : vector<8192x64xf32>
    %dot_general3A_42 = tpu.matmul %select_n3A, %get3A_40, %dot_general3A_41 {dimension_numbers = #tpu.dot_dimension_numbers<[1], [0], [0], [1], [0, 0, 1, 1], [], []>, transpose_lhs_hint = false} : vector<8192x64xf32>, vector<64x64xf32>, vector<8192x64xf32> -> vector<8192x64xf32>
    %get3A_43 = arith.constant 0 : index
    %get3A_44 = arith.constant 0 : index
    %get3A_45 = vector.load %arg9[%get3A_43, %get3A_44] : memref<1x64xf32, #tpu.memory_space<vmem>>, vector<1x64xf32>
    %add3A_46 = vector.broadcast %get3A_45 : vector<1x64xf32> to vector<8192x64xf32>
    %add3A_47 = arith.addf %dot_general3A_42, %add3A_46 : vector<8192x64xf32>
    %jit3A_48 = arith.constant 0.00999999977 : f32
    %ge3A_49 = arith.constant 0.000000e+00 : f32
    %ge3A_50 = vector.broadcast %ge3A_49 : f32 to vector<8192x64xf32>
    %ge3A_51 = arith.cmpf oge, %add3A_47, %ge3A_50 : vector<8192x64xf32>
    %mul3A_52 = vector.broadcast %jit3A_48 : f32 to vector<8192x64xf32>
    %mul3A_53 = arith.mulf %mul3A_52, %add3A_47 : vector<8192x64xf32>
    %select_n3A_54 = arith.select %ge3A_51, %add3A_47, %mul3A_53 : vector<8192x64xi1>, vector<8192x64xf32>
    %get3A_55 = arith.constant 0 : index
    %get3A_56 = arith.constant 0 : index
    %get3A_57 = vector.load %arg10[%get3A_55, %get3A_56] : memref<3x8xf32, #tpu.memory_space<vmem>>, vector<3x8xf32>
    %dot_general3A_58 = arith.constant dense<0.000000e+00> : vector<8192x8xf32>
    %dot_general3A_59 = tpu.matmul %sub3A, %get3A_57, %dot_general3A_58 {dimension_numbers = #tpu.dot_dimension_numbers<[1], [0], [0], [1], [0, 0, 1, 1], [], []>, transpose_lhs_hint = false} : vector<8192x3xf32>, vector<3x8xf32>, vector<8192x8xf32> -> vector<8192x8xf32>
    %get3A_60 = arith.constant 0 : index
    %get3A_61 = arith.constant 0 : index
    %get3A_62 = vector.load %arg11[%get3A_60, %get3A_61] : memref<1x8xf32, #tpu.memory_space<vmem>>, vector<1x8xf32>
    %add3A_63 = vector.broadcast %get3A_62 : vector<1x8xf32> to vector<8192x8xf32>
    %add3A_64 = arith.addf %dot_general3A_59, %add3A_63 : vector<8192x8xf32>
    %max3A = arith.constant 0.000000e+00 : f32
    %max3A_65 = vector.broadcast %max3A : f32 to vector<8192x8xf32>
    %max3A_66 = arith.maximumf %add3A_64, %max3A_65 : vector<8192x8xf32>
    %get3A_67 = arith.constant 0 : index
    %get3A_68 = arith.constant 0 : index
    %get3A_69 = vector.load %arg12[%get3A_67, %get3A_68] : memref<8x8xf32, #tpu.memory_space<vmem>>, vector<8x8xf32>
    %dot_general3A_70 = arith.constant dense<0.000000e+00> : vector<8192x8xf32>
    %dot_general3A_71 = tpu.matmul %max3A_66, %get3A_69, %dot_general3A_70 {dimension_numbers = #tpu.dot_dimension_numbers<[1], [0], [0], [1], [0, 0, 1, 1], [], []>, transpose_lhs_hint = false} : vector<8192x8xf32>, vector<8x8xf32>, vector<8192x8xf32> -> vector<8192x8xf32>
    %get3A_72 = arith.constant 0 : index
    %get3A_73 = arith.constant 0 : index
    %get3A_74 = vector.load %arg13[%get3A_72, %get3A_73] : memref<1x8xf32, #tpu.memory_space<vmem>>, vector<1x8xf32>
    %add3A_75 = vector.broadcast %get3A_74 : vector<1x8xf32> to vector<8192x8xf32>
    %add3A_76 = arith.addf %dot_general3A_71, %add3A_75 : vector<8192x8xf32>
    %max3A_77 = arith.constant 0.000000e+00 : f32
    %max3A_78 = vector.broadcast %max3A_77 : f32 to vector<8192x8xf32>
    %max3A_79 = arith.maximumf %add3A_76, %max3A_78 : vector<8192x8xf32>
    %get3A_80 = arith.constant 0 : index
    %get3A_81 = arith.constant 0 : index
    %get3A_82 = vector.load %arg14[%get3A_80, %get3A_81] : memref<8x64xf32, #tpu.memory_space<vmem>>, vector<8x64xf32>
    %dot_general3A_83 = arith.constant dense<0.000000e+00> : vector<8192x64xf32>
    %dot_general3A_84 = tpu.matmul %max3A_79, %get3A_82, %dot_general3A_83 {dimension_numbers = #tpu.dot_dimension_numbers<[1], [0], [0], [1], [0, 0, 1, 1], [], []>, transpose_lhs_hint = false} : vector<8192x8xf32>, vector<8x64xf32>, vector<8192x64xf32> -> vector<8192x64xf32>
    %get3A_85 = arith.constant 0 : index
    %get3A_86 = arith.constant 0 : index
    %get3A_87 = vector.load %arg15[%get3A_85, %get3A_86] : memref<1x64xf32, #tpu.memory_space<vmem>>, vector<1x64xf32>
    %add3A_88 = vector.broadcast %get3A_87 : vector<1x64xf32> to vector<8192x64xf32>
    %add3A_89 = arith.addf %dot_general3A_84, %add3A_88 : vector<8192x64xf32>
    %max3A_90 = arith.constant 0.000000e+00 : f32
    %max3A_91 = vector.broadcast %max3A_90 : f32 to vector<8192x64xf32>
    %max3A_92 = arith.maximumf %add3A_89, %max3A_91 : vector<8192x64xf32>
    %mul3A_93 = arith.mulf %select_n3A_54, %max3A_92 : vector<8192x64xf32>
    %reshape3A_94 = vector.shape_cast %mul3A_93 : vector<8192x64xf32> to vector<512x16x64xf32>
    %reduce_sum3A = arith.constant dense<0.000000e+00> : vector<512x64xf32>
    %reduce_sum3A_95 = vector.multi_reduction <add>, %reshape3A_94, %reduce_sum3A [1] : vector<512x16x64xf32> to vector<512x64xf32>
    %broadcast_in_dim3A_96 = arith.constant 0.000000e+00 : f32
    %broadcast_in_dim3A_97 = vector.broadcast %broadcast_in_dim3A_96 : f32 to vector<512x13xf32>
    %concatenate3A = tpu.concatenate %reduce_sum3A_95, %get3A_5, %broadcast_in_dim3A_97 in 1 : vector<512x64xf32>, vector<512x3xf32>, vector<512x13xf32> -> vector<512x80xf32>
    %swap3A = arith.constant 0 : index
    %swap3A_98 = arith.constant 0 : index
    %swap3A_99 = vector.load %arg16[%swap3A, %swap3A_98] : memref<512x80xf32, #tpu.memory_space<vmem>>, vector<512x80xf32>
    tpu.vector_store %arg16[%swap3A, %swap3A_98], %concatenate3A {strides = array<i32>} : memref<512x80xf32, #tpu.memory_space<vmem>>, vector<512x80xf32>,
    return
  }
  func.func @transform_0(%arg0: i32) -> (i32, i32) {
    %c0_i32 = arith.constant 0 : i32
    %c0_i32_0 = arith.constant 0 : i32
    return %arg0, %c0_i32 : i32, i32
  }
  func.func @transform_1(%arg0: i32) -> (i32, i32) {
    %c0_i32 = arith.constant 0 : i32
    %c0_i32_0 = arith.constant 0 : i32
    return %arg0, %c0_i32 : i32, i32
  }
  func.func @transform_2(%arg0: i32) -> (i32, i32) {
    %c0_i32 = arith.constant 0 : i32
    %c0_i32_0 = arith.constant 0 : i32
    return %arg0, %c0_i32 : i32, i32
  }
  func.func @transform_3(%arg0: i32) -> (i32, i32) {
    %c0_i32 = arith.constant 0 : i32
    %c0_i32_0 = arith.constant 0 : i32
    %c0_i32_1 = arith.constant 0 : i32
    return %c0_i32, %c0_i32_0 : i32, i32
  }
  func.func @transform_4(%arg0: i32) -> (i32, i32) {
    %c0_i32 = arith.constant 0 : i32
    %c0_i32_0 = arith.constant 0 : i32
    %c0_i32_1 = arith.constant 0 : i32
    return %c0_i32, %c0_i32_0 : i32, i32
  }
  func.func @transform_5(%arg0: i32) -> (i32, i32) {
    %c0_i32 = arith.constant 0 : i32
    %c0_i32_0 = arith.constant 0 : i32
    %c0_i32_1 = arith.constant 0 : i32
    return %c0_i32, %c0_i32_0 : i32, i32
  }
  func.func @transform_6(%arg0: i32) -> (i32, i32) {
    %c0_i32 = arith.constant 0 : i32
    %c0_i32_0 = arith.constant 0 : i32
    %c0_i32_1 = arith.constant 0 : i32
    return %c0_i32, %c0_i32_0 : i32, i32
  }
  func.func @transform_7(%arg0: i32) -> (i32, i32) {
    %c0_i32 = arith.constant 0 : i32
    %c0_i32_0 = arith.constant 0 : i32
    %c0_i32_1 = arith.constant 0 : i32
    return %c0_i32, %c0_i32_0 : i32, i32
  }
  func.func @transform_8(%arg0: i32) -> (i32, i32) {
    %c0_i32 = arith.constant 0 : i32
    %c0_i32_0 = arith.constant 0 : i32
    %c0_i32_1 = arith.constant 0 : i32
    return %c0_i32, %c0_i32_0 : i32, i32
  }
  func.func @transform_9(%arg0: i32) -> (i32, i32) {
    %c0_i32 = arith.constant 0 : i32
    %c0_i32_0 = arith.constant 0 : i32
    %c0_i32_1 = arith.constant 0 : i32
    return %c0_i32, %c0_i32_0 : i32, i32
  }
  func.func @transform_10(%arg0: i32) -> (i32, i32) {
    %c0_i32 = arith.constant 0 : i32
    %c0_i32_0 = arith.constant 0 : i32
    %c0_i32_1 = arith.constant 0 : i32
    return %c0_i32, %c0_i32_0 : i32, i32
  }
  func.func @transform_11(%arg0: i32) -> (i32, i32) {
    %c0_i32 = arith.constant 0 : i32
    %c0_i32_0 = arith.constant 0 : i32
    %c0_i32_1 = arith.constant 0 : i32
    return %c0_i32, %c0_i32_0 : i32, i32
  }
  func.func @transform_12(%arg0: i32) -> (i32, i32) {
    %c0_i32 = arith.constant 0 : i32
    %c0_i32_0 = arith.constant 0 : i32
    %c0_i32_1 = arith.constant 0 : i32
    return %c0_i32, %c0_i32_0 : i32, i32
  }
  func.func @transform_13(%arg0: i32) -> (i32, i32) {
    %c0_i32 = arith.constant 0 : i32
    %c0_i32_0 = arith.constant 0 : i32
    %c0_i32_1 = arith.constant 0 : i32
    return %c0_i32, %c0_i32_0 : i32, i32
  }
  func.func @transform_14(%arg0: i32) -> (i32, i32) {
    %c0_i32 = arith.constant 0 : i32
    %c0_i32_0 = arith.constant 0 : i32
    %c0_i32_1 = arith.constant 0 : i32
    return %c0_i32, %c0_i32_0 : i32, i32
  }
  func.func @transform_15(%arg0: i32) -> (i32, i32) {
    %c0_i32 = arith.constant 0 : i32
    %c0_i32_0 = arith.constant 0 : i32
    return %arg0, %c0_i32 : i32, i32
  }
}

module attributes {stable_mosaic.version = 14 : i64} {
  func.func @_n2n_body(%arg0: i32, %arg1: memref<8192x80xf32, #tpu.memory_space<vmem>>, %arg2: memref<512x3xf32, #tpu.memory_space<vmem>>, %arg3: memref<3x8xf32, #tpu.memory_space<vmem>>, %arg4: memref<1x8xf32, #tpu.memory_space<vmem>>, %arg5: memref<8x8xf32, #tpu.memory_space<vmem>>, %arg6: memref<1x8xf32, #tpu.memory_space<vmem>>, %arg7: memref<8x64xf32, #tpu.memory_space<vmem>>, %arg8: memref<1x64xf32, #tpu.memory_space<vmem>>, %arg9: memref<512x64xf32, #tpu.memory_space<vmem>>) attributes {dimension_semantics = [#tpu.dimension_semantics<arbitrary>], iteration_bounds = array<i64: 16>, scalar_prefetch = 0 : i64, scratch_operands = 0 : i64, tpu.core_type = #tpu.core_type<tc>, window_params = [{transform_indices = @transform_0, window_bounds = array<i64: 8192, 80>}, {transform_indices = @transform_1, window_bounds = array<i64: 512, 3>}, {pipeline_mode = #tpu.pipeline_mode<synchronous>, transform_indices = @transform_2, window_bounds = array<i64: 3, 8>}, {pipeline_mode = #tpu.pipeline_mode<synchronous>, transform_indices = @transform_3, window_bounds = array<i64: 1, 8>}, {pipeline_mode = #tpu.pipeline_mode<synchronous>, transform_indices = @transform_4, window_bounds = array<i64: 8, 8>}, {pipeline_mode = #tpu.pipeline_mode<synchronous>, transform_indices = @transform_5, window_bounds = array<i64: 1, 8>}, {pipeline_mode = #tpu.pipeline_mode<synchronous>, transform_indices = @transform_6, window_bounds = array<i64: 8, 64>}, {pipeline_mode = #tpu.pipeline_mode<synchronous>, transform_indices = @transform_7, window_bounds = array<i64: 1, 64>}, {transform_indices = @transform_8, window_bounds = array<i64: 512, 64>}]} {
    %get3A = arith.constant 0 : index
    %get3A_0 = arith.constant 0 : index
    %get3A_1 = vector.load %arg1[%get3A, %get3A_0] : memref<8192x80xf32, #tpu.memory_space<vmem>>, vector<8192x80xf32>
    %slice3A = vector.extract_strided_slice %get3A_1 {offsets = [0, 0], sizes = [8192, 64], strides = [1, 1]} : vector<8192x80xf32> to vector<8192x64xf32>
    %slice3A_2 = vector.extract_strided_slice %get3A_1 {offsets = [0, 64], sizes = [8192, 3], strides = [1, 1]} : vector<8192x80xf32> to vector<8192x3xf32>
    %get3A_3 = arith.constant 0 : index
    %get3A_4 = arith.constant 0 : index
    %get3A_5 = vector.load %arg2[%get3A_3, %get3A_4] : memref<512x3xf32, #tpu.memory_space<vmem>>, vector<512x3xf32>
    %broadcast_in_dim3A = vector.shape_cast %get3A_5 : vector<512x3xf32> to vector<512x1x3xf32>
    %broadcast_in_dim3A_6 = vector.shape_cast %broadcast_in_dim3A : vector<512x1x3xf32> to vector<512x1x3xf32>
    %broadcast_in_dim3A_7 = vector.broadcast %broadcast_in_dim3A_6 : vector<512x1x3xf32> to vector<512x16x3xf32>
    %reshape3A = vector.shape_cast %broadcast_in_dim3A_7 : vector<512x16x3xf32> to vector<8192x3xf32>
    %sub3A = arith.subf %slice3A_2, %reshape3A : vector<8192x3xf32>
    %get3A_8 = arith.constant 0 : index
    %get3A_9 = arith.constant 0 : index
    %get3A_10 = vector.load %arg3[%get3A_8, %get3A_9] : memref<3x8xf32, #tpu.memory_space<vmem>>, vector<3x8xf32>
    %dot_general3A = arith.constant dense<0.000000e+00> : vector<8192x8xf32>
    %dot_general3A_11 = tpu.matmul %sub3A, %get3A_10, %dot_general3A {dimension_numbers = #tpu.dot_dimension_numbers<[1], [0], [0], [1], [0, 0, 1, 1], [], []>, transpose_lhs_hint = false} : vector<8192x3xf32>, vector<3x8xf32>, vector<8192x8xf32> -> vector<8192x8xf32>
    %get3A_12 = arith.constant 0 : index
    %get3A_13 = arith.constant 0 : index
    %get3A_14 = vector.load %arg4[%get3A_12, %get3A_13] : memref<1x8xf32, #tpu.memory_space<vmem>>, vector<1x8xf32>
    %add3A = vector.broadcast %get3A_14 : vector<1x8xf32> to vector<8192x8xf32>
    %add3A_15 = arith.addf %dot_general3A_11, %add3A : vector<8192x8xf32>
    %max3A = arith.constant 0.000000e+00 : f32
    %max3A_16 = vector.broadcast %max3A : f32 to vector<8192x8xf32>
    %max3A_17 = arith.maximumf %add3A_15, %max3A_16 : vector<8192x8xf32>
    %get3A_18 = arith.constant 0 : index
    %get3A_19 = arith.constant 0 : index
    %get3A_20 = vector.load %arg5[%get3A_18, %get3A_19] : memref<8x8xf32, #tpu.memory_space<vmem>>, vector<8x8xf32>
    %dot_general3A_21 = arith.constant dense<0.000000e+00> : vector<8192x8xf32>
    %dot_general3A_22 = tpu.matmul %max3A_17, %get3A_20, %dot_general3A_21 {dimension_numbers = #tpu.dot_dimension_numbers<[1], [0], [0], [1], [0, 0, 1, 1], [], []>, transpose_lhs_hint = false} : vector<8192x8xf32>, vector<8x8xf32>, vector<8192x8xf32> -> vector<8192x8xf32>
    %get3A_23 = arith.constant 0 : index
    %get3A_24 = arith.constant 0 : index
    %get3A_25 = vector.load %arg6[%get3A_23, %get3A_24] : memref<1x8xf32, #tpu.memory_space<vmem>>, vector<1x8xf32>
    %add3A_26 = vector.broadcast %get3A_25 : vector<1x8xf32> to vector<8192x8xf32>
    %add3A_27 = arith.addf %dot_general3A_22, %add3A_26 : vector<8192x8xf32>
    %max3A_28 = arith.constant 0.000000e+00 : f32
    %max3A_29 = vector.broadcast %max3A_28 : f32 to vector<8192x8xf32>
    %max3A_30 = arith.maximumf %add3A_27, %max3A_29 : vector<8192x8xf32>
    %get3A_31 = arith.constant 0 : index
    %get3A_32 = arith.constant 0 : index
    %get3A_33 = vector.load %arg7[%get3A_31, %get3A_32] : memref<8x64xf32, #tpu.memory_space<vmem>>, vector<8x64xf32>
    %dot_general3A_34 = arith.constant dense<0.000000e+00> : vector<8192x64xf32>
    %dot_general3A_35 = tpu.matmul %max3A_30, %get3A_33, %dot_general3A_34 {dimension_numbers = #tpu.dot_dimension_numbers<[1], [0], [0], [1], [0, 0, 1, 1], [], []>, transpose_lhs_hint = false} : vector<8192x8xf32>, vector<8x64xf32>, vector<8192x64xf32> -> vector<8192x64xf32>
    %get3A_36 = arith.constant 0 : index
    %get3A_37 = arith.constant 0 : index
    %get3A_38 = vector.load %arg8[%get3A_36, %get3A_37] : memref<1x64xf32, #tpu.memory_space<vmem>>, vector<1x64xf32>
    %add3A_39 = vector.broadcast %get3A_38 : vector<1x64xf32> to vector<8192x64xf32>
    %add3A_40 = arith.addf %dot_general3A_35, %add3A_39 : vector<8192x64xf32>
    %max3A_41 = arith.constant 0.000000e+00 : f32
    %max3A_42 = vector.broadcast %max3A_41 : f32 to vector<8192x64xf32>
    %max3A_43 = arith.maximumf %add3A_40, %max3A_42 : vector<8192x64xf32>
    %mul3A = arith.mulf %max3A_43, %slice3A : vector<8192x64xf32>
    %reshape3A_44 = vector.shape_cast %mul3A : vector<8192x64xf32> to vector<512x16x64xf32>
    %reduce_sum3A = arith.constant dense<0.000000e+00> : vector<512x64xf32>
    %reduce_sum3A_45 = vector.multi_reduction <add>, %reshape3A_44, %reduce_sum3A [1] : vector<512x16x64xf32> to vector<512x64xf32>
    %swap3A = arith.constant 0 : index
    %swap3A_46 = arith.constant 0 : index
    %swap3A_47 = vector.load %arg9[%swap3A, %swap3A_46] : memref<512x64xf32, #tpu.memory_space<vmem>>, vector<512x64xf32>
    tpu.vector_store %arg9[%swap3A, %swap3A_46], %reduce_sum3A_45 {strides = array<i32>} : memref<512x64xf32, #tpu.memory_space<vmem>>, vector<512x64xf32>,
    return
  }
  func.func @transform_0(%arg0: i32) -> (i32, i32) {
    %c0_i32 = arith.constant 0 : i32
    %c0_i32_0 = arith.constant 0 : i32
    return %arg0, %c0_i32 : i32, i32
  }
  func.func @transform_1(%arg0: i32) -> (i32, i32) {
    %c0_i32 = arith.constant 0 : i32
    %c0_i32_0 = arith.constant 0 : i32
    return %arg0, %c0_i32 : i32, i32
  }
  func.func @transform_2(%arg0: i32) -> (i32, i32) {
    %c0_i32 = arith.constant 0 : i32
    %c0_i32_0 = arith.constant 0 : i32
    %c0_i32_1 = arith.constant 0 : i32
    return %c0_i32, %c0_i32_0 : i32, i32
  }
  func.func @transform_3(%arg0: i32) -> (i32, i32) {
    %c0_i32 = arith.constant 0 : i32
    %c0_i32_0 = arith.constant 0 : i32
    %c0_i32_1 = arith.constant 0 : i32
    return %c0_i32, %c0_i32_0 : i32, i32
  }
  func.func @transform_4(%arg0: i32) -> (i32, i32) {
    %c0_i32 = arith.constant 0 : i32
    %c0_i32_0 = arith.constant 0 : i32
    %c0_i32_1 = arith.constant 0 : i32
    return %c0_i32, %c0_i32_0 : i32, i32
  }
  func.func @transform_5(%arg0: i32) -> (i32, i32) {
    %c0_i32 = arith.constant 0 : i32
    %c0_i32_0 = arith.constant 0 : i32
    %c0_i32_1 = arith.constant 0 : i32
    return %c0_i32, %c0_i32_0 : i32, i32
  }
  func.func @transform_6(%arg0: i32) -> (i32, i32) {
    %c0_i32 = arith.constant 0 : i32
    %c0_i32_0 = arith.constant 0 : i32
    %c0_i32_1 = arith.constant 0 : i32
    return %c0_i32, %c0_i32_0 : i32, i32
  }
  func.func @transform_7(%arg0: i32) -> (i32, i32) {
    %c0_i32 = arith.constant 0 : i32
    %c0_i32_0 = arith.constant 0 : i32
    %c0_i32_1 = arith.constant 0 : i32
    return %c0_i32, %c0_i32_0 : i32, i32
  }
  func.func @transform_8(%arg0: i32) -> (i32, i32) {
    %c0_i32 = arith.constant 0 : i32
    %c0_i32_0 = arith.constant 0 : i32
    return %arg0, %c0_i32 : i32, i32
  }
}

</mosaic_0001>

<sc_bundles>
// kernel: kernel.11.cloned.1.call-start
scs
__scs_entry_jumppad:
0x0: {  	(pc) =	sbr.rel $0x88, $3  }
0x1: {  	(tag) =	ssettag $0x0;
	lr =	simm.s32 $0x1  }
0x2: {  	[smem:$0x3F8D] =	sst lr;
	_ =	strace $0xD0000000  }
0x3: {  	_ = 	snop  }
0x4: {  	_ = 	snop  }
0x5: {  	_ = 	snop  }
0x6: {  	_ = 	snop  }
0x7: {  	_ = 	snop  }
__scs_overlays_trampoline_lowered:
0x8: {  	[smem:$0x3F9C] =	sst s0  }
0x9: {  	[smem:$0x3F9D] =	sst s1  }
0xa: {  	[smem:$0x3F9E] =	sst s2  }
0xb: {  	[smem:$0x3F9F] =	sst s3  }
0xc: {  	[smem:$0x3FA0] =	sst s4  }
0xd: {  	[smem:$0x3FA1] =	sst s5  }
0xe: {  	[smem:$0x3FA2] =	sst s6  }
0xf: {  	[smem:$0x3FA3] =	sst s7  }
0x10: {  	[smem:$0x3FA4] =	sst s8  }
0x11: {  	[smem:$0x3FA5] =	sst s9;
	s0 =	simm.s32 @!p0 $0x0  }
0x12: {  	s1 =	sld [smem:$0x3F8B];
	s0 =	simm.s32 @p0 $0x1  }
0x13: {  	[smem:$0x3FA6] =	sst s0;
	s0 =	simm.s32 @!p1 $0x0  }
0x14: {  	s2 =	sld [smem:$0x3F8A];
	s0 =	simm.s32 @p1 $0x1  }
0x15: {  	[smem:$0x3FA7] =	sst s0;
	s0 =	simm.s32 @!p2 $0x0  }
0x16: {  	s3 =	sld [smem:$0x3FDB];
	s0 =	simm.s32 @p2 $0x1  }
0x17: {  	s4 =	simm.s32 $0x1BF5;
	[smem:$0x3FA9] =	sst s0  }
0x18: {  	s0 =	sld [smem:$0x3F8C];
	_ =	swait.ge [sflag:s4], $0x0  }
0x19: {  	s7 =	sld [smem:$0x3F8D]  }
0x1a: {  	s8 =	sadd.s32 $0xFFFFE003, lr  }
0x1b: {  	s9 =	sadd.s32 $0xFFFFFEF7, lr;
	s5 =	simm.s32 $0xFFFFFFFF;
	p2 =	slt.u32 s8, $0xFFFFF086  }
0x1c: {  	p1 =	slt.u32 s9, $0xF7A;
	s5 =	simm.s32 @!p2 $0x0  }
0x1d: {  	s5 =	simm.s32 @p1 $0x1;
	p0 =	seq.s32 s7, s2  }
0x1e: {  	s7 =	smul.u32 @!p0 $0xF7A, s2;
	p2 =	seq.s32 @!p0 s5, $0x0  }
0x1f: {  	s9 =	smul.u32 $0xF7A, s1;
	s8 =	simm.s32 @!p0 $0x1BF5;
	p2 =	por !p2, p0  }
0x20: {  	[sflag:s8] =	ssyncset.s32 @!p0 $0xFFFFF086;
	s6 =	sadd.s32 @!p0 s3, s7;
	s7 =	simm.s32 @!p0 $0x108  }
0x21: {  	s3 =	sadd.s32 s3, s9;
	s6 =	sadd.s32 @!p0 $0x88, s6;
	s7 =	simm.s32 @p2 $0x1082  }
0x22: {  	[simem:s7], [sflag:s8] =	dma.local @!p0 [hbm:s6], $0xF7A  }
0x23: {  	s9 =	sor.u32 $0xD0000000, s2;
	s6 =	simm.s32 $0x108;
	_ =	swait.ge @!p0 [sflag:s8], $0x0  }
0x24: {  	s3 =	sadd.s32 $0x88, s3;
	s6 =	simm.s32 @!p1 $0x1082;
	[sflag:s4] =	ssyncset.s32 $0xFFFFF086  }
0x25: {  	[simem:s6], [sflag:s4] =	dma.local [hbm:s3], $0xF7A  }
0x26: {  	[smem:$0x3F8D] =	sst s1;
	(tag) =	ssettag s2;
	_ =	strace s9  }
0x27: {  	s1 =	sld [smem:$0x3F9D]  }
0x28: {  	s2 =	sld [smem:$0x3F9E]  }
0x29: {  	s4 =	sld [smem:$0x3FA0]  }
0x2a: {  	p0 =	seq.s32 s5, $0x0;
	s5 =	sld [smem:$0x3FA1]  }
0x2b: {  	s6 =	sld [smem:$0x3FA2]  }
0x2c: {  	s7 =	sld [smem:$0x3FA3]  }
0x2d: {  	s3 =	simm.s32 $0x108;
	s8 =	sld [smem:$0x3FA4]  }
0x2e: {  	s3 =	simm.s32 @!p0 $0x1082;
	s9 =	sld [smem:$0x3FA5]  }
0x2f: {  	lr =	sadd.s32 s0, s3;
	s0 =	sld [smem:$0x3F9C]  }
0x30: {  	s3 =	sld [smem:$0x3F9F]  }
0x31: {  	[smem:$0x3FA8] =	sst s10  }
0x32: {  	s10 =	sld [smem:$0x3FA6];
	_ =	sdelay $0x3  }
0x33: {  	p0 =	seq.s32 s10, $0x1;
	s10 =	sld [smem:$0x3FA8];
	_ =	sdelay $0x3  }
0x34: {  	[smem:$0x3FA8] =	sst s10  }
0x35: {  	s10 =	sld [smem:$0x3FA7];
	_ =	sdelay $0x3  }
0x36: {  	p1 =	seq.s32 s10, $0x1;
	s10 =	sld [smem:$0x3FA8];
	_ =	sdelay $0x3  }
0x37: {  	[smem:$0x3FA8] =	sst s10  }
0x38: {  	s10 =	sld [smem:$0x3FA9]  }
0x39: {  	_ = 	snop;
	(pc) =	sbr.ind lr, $3  }
0x3a: {  	_ = 	snop  }
0x3b: {  	_ = 	snop  }
0x3c: {  	p2 =	seq.s32 s10, $0x1;
	s10 =	sld [smem:$0x3FA8]  }
0x3d: {  	_ =	shalt  }
0x3e: {  	_ =	shalt  }
0x3f: {  	_ =	shalt  }
0x40: {  	_ =	shalt  }
0x41: {  	_ =	shalt  }
0x42: {  	_ =	shalt  }
0x43: {  	_ =	shalt  }
0x44: {  	_ =	shalt  }
0x45: {  	_ =	shalt  }
0x46: {  	_ =	shalt  }
0x47: {  	_ =	shalt  }
0x48: {  	_ =	shalt  }
0x49: {  	_ =	shalt  }
0x4a: {  	_ =	shalt  }
0x4b: {  	_ =	shalt  }
0x4c: {  	_ =	shalt  }
0x4d: {  	_ =	shalt  }
0x4e: {  	_ =	shalt  }
0x4f: {  	_ =	shalt  }
0x50: {  	_ =	shalt  }
0x51: {  	_ =	shalt  }
0x52: {  	_ =	shalt  }
0x53: {  	_ =	shalt  }
0x54: {  	_ =	shalt  }
0x55: {  	_ =	shalt  }
0x56: {  	_ =	shalt  }
0x57: {  	_ =	shalt  }
0x58: {  	_ =	shalt  }
0x59: {  	_ =	shalt  }
0x5a: {  	_ =	shalt  }
0x5b: {  	_ =	shalt  }
0x5c: {  	_ =	shalt  }
0x5d: {  	_ =	shalt  }
0x5e: {  	_ =	shalt  }
0x5f: {  	_ =	shalt  }
0x60: {  	_ =	shalt  }
0x61: {  	_ =	shalt  }
0x62: {  	_ =	shalt  }
0x63: {  	_ =	shalt  }
0x64: {  	_ =	shalt  }
0x65: {  	_ =	shalt  }
0x66: {  	_ =	shalt  }
0x67: {  	_ =	shalt  }
0x68: {  	_ =	shalt  }
0x69: {  	_ =	shalt  }
0x6a: {  	_ =	shalt  }
0x6b: {  	_ =	shalt  }
0x6c: {  	_ =	shalt  }
0x6d: {  	_ =	shalt  }
0x6e: {  	_ =	shalt  }
0x6f: {  	_ =	shalt  }
0x70: {  	_ =	shalt  }
0x71: {  	_ =	shalt  }
0x72: {  	_ =	shalt  }
0x73: {  	_ =	shalt  }
0x74: {  	_ =	shalt  }
0x75: {  	_ =	shalt  }
0x76: {  	_ =	shalt  }
0x77: {  	_ =	shalt  }
0x78: {  	_ =	shalt  }
0x79: {  	_ =	shalt  }
0x7a: {  	_ =	shalt  }
0x7b: {  	_ =	shalt  }
0x7c: {  	_ =	shalt  }
0x7d: {  	_ =	shalt  }
0x7e: {  	_ =	shalt  }
0x7f: {  	_ =	shalt  }
0x80: {  	_ =	shalt  }
0x81: {  	_ =	shalt  }
0x82: {  	_ =	shalt  }
0x83: {  	_ =	shalt  }
0x84: {  	_ =	shalt  }
0x85: {  	_ =	shalt  }
0x86: {  	_ =	shalt  }
0x87: {  	_ =	shalt  }
.Lfunc_end0:
.L_simem_size_0:
called_computation.1_lowered:
.L_overlay_start_0:
0x88: {  	s2 =	sld [smem:$0x3FD9]  }
0x89: {  	s3 =	sld [smem:$0x3FFE];
	_ =	sdelay $0x1  }
0x8a: {  	s1 =	srdreg.scid  }
0x8b: {  	s0 =	sand.u32 $0x1, s1  }
0x8c: {  	s16 =	sshll.u32 s0, $0xA;
	s2 =	sadd.s32 s3, s2  }
0x8d: {  	s2 =	sadd.s32 s2, s16  }
0x8e: {  	[smem:$0x3FB4] =	sst s2  }
0x8f: {  	_ = 	snop  }
0x90: {  	(tm) =	ssettm $0x1  }
0x91: {  	s17 =	sld [smem:$0x3FFB];
	_ =	sdelay $0x3  }
0x92: {  	_ =	strace s17  }
0x93: {  	s2 =	sld [smem:$0x3FFC];
	_ =	sdelay $0x3  }
0x94: {  	_ =	strace s2  }
0x95: {  	s2 =	sld [smem:$0x3FFD];
	_ =	sdelay $0x3  }
0x96: {  	_ =	strace s2  }
0x97: {  	_ =	strace $0x8FFFFFFF  }
0x98: {  	s18 =	sld [smem:$0x3FDB];
	_ =	sdelay $0x1  }
0x99: {  	s19 =	simm.s32 $_scs_section_size  }
0x9a: {  	s4 =	simm.s32 $_size__tile_overlayer_lowered;
	s5 =	simm.s32 $_tile_overlayer_lowered  }
0x9b: {  	s22 =	simm.s32 $0x1BFF;
	s21 =	sshll.u32 s5, $0x1;
	s2 =	sadd.s32 s19, s18  }
0x9c: {  	s6 =	simm.s32 $0x0;
	s20 =	sshll.u32 s4, $0x1;
	s4 =	sadd.s32 s21, s2  }
0x9d: {  	[timem:s6], [sflag:s22] =	dma.local [hbm:s4], s20  }
0x9e: {  	_ =	swait.ge [sflag:s22], s20  }
0x9f: {  	s3 =	ssub.s32 $0x0, s20;
	[sflag:s22] =	ssyncset.done $0x0  }
0xa0: {  	[sflag:s22] =	ssyncadd.s32 s3;
	_ =	sdelay $0x1  }
0xa1: {  	s23 =	simm.s32 $0x1B8B  }
0xa2: {  	_ =	swait.ge [sflag:s23], $0x1  }
0xa3: {  	[sflag:s23] =	ssyncset.done $0x0  }
0xa4: {  	s25 =	simm.s32 $0x1B8E;
	s24 =	sld [smem:$0x3FFE];
	[sflag:s23] =	ssyncadd.s32 $0xFFFFFFFF  }
0xa5: {  	s26 =	simm.s32 $execute0_lowered;
	[smem:$0x3FD2] =	sst s25  }
0xa6: {  	s4 =	sshll.u32 s26, $0x1;
	_ =	strace $0x80000049;
	[dreg:$0x1] =	wrdreg $0xFFFFFFFF  }
0xa7: {  	s28 =	simm.s32 $_size_execute0_lowered;
	s2 =	sadd.s32 s2, s4;
	[dreg:$0x0] =	wrdreg $0x0  }
0xa8: {  	s4 =	sshll.u32 s28, $0x1;
	[dreg:$0x2] =	wrdreg s2  }
0xa9: {  	[dreg:$0x3] =	wrdreg s4  }
0xaa: {  	[dreg:$0x4] =	wrdreg $0xC0  }
0xab: {  	_ =	task [dreg:s6], $0x5FFFF  }
0xac: {  	[dreg:$0x1] =	wrdreg $0xFFFFFFFF  }
0xad: {  	[dreg:$0x0] =	wrdreg $0x60  }
0xae: {  	[dreg:$0x2] =	wrdreg s24  }
0xaf: {  	[dreg:$0x3] =	wrdreg $0x9  }
0xb0: {  	_ =	task.clear_ibuf [dreg:s6], $0x4FFFF;
	_ =	strace $0x90000049  }
0xb1: {  	s29 =	simm.s32 $0x9;
	_ =	strace $0x8000004B  }
0xb2: {  	_ =	swait.ge [sflag:s29], $0x1  }
0xb3: {  	[sflag:s29] =	ssyncadd.s32 $0xFFFFFFFF  }
0xb4: {  	_ =	strace $0x9000004B  }
0xb5: {  	_ =	sfence  }
0xb6: {  	s30 =	sld [smem:$0x0];
	_ =	sdelay $0x2  }
0xb7: {  	s31 =	sshll.u32 s1, $0xD;
	s1 =	sshrl.u32 s1, $0x2  }
0xb8: {  	s3 =	sand.u32 $0x4000, s31;
	s1 =	sadd.s32 s1, s30  }
0xb9: {  	s0 =	sor.u32 s3, s0;
	s1 =	sshll.u32 s1, $0x11  }
0xba: {  	s0 =	sor.u32 s1, s0  }
0xbb: {  	s0 =	sadd.s32 $0x8F2B, s0  }
0xbc: {  	[sflag:s0] =	ssyncadd.remote.s32 $0x1  }
0xbd: {  	_ =	sfence.sel $0xFFFF  }
0xbe: {  	[dreg:$0x0] =	wrdreg $0xFFFFFFFF;
	(pc) =	sbr.abs _section_cstart, $3  }
0xbf: {  	[dreg:$0x1] =	wrdreg $0xFFFFFFFF  }
0xc0: {  	_ =	task.clear_ibuf [dreg:s6], $0x2FFFF;
	_ =	strace $0x9FFFFFFF  }
0xc1: {  	(tm) =	ssettm $0x7FFFFFFF  }
tec
execute0_lowered:
.L_overlay_start_1:
0x0: {  	(tag) =	ssettag $0x1  }
0x1: {  	s4 =	rddreg [dreg:$0x0]  }
0x2: {  	s0 =	rddreg [dreg:$0x1];
	s2 =	simm.s32 $0x0;
	s5 =	srdreg.scid  }
0x3: {  	s1 =	stileid.u32;
	s10 =	simm.s32 $0x0;
	[smem:$0x7FF] =	sst s2  }
0x4: {  	s3 =	sadd.s32 $0x2E00, s4;
	s5 =	sand.u32 $0x1, s5;
	s6 =	sshll.u32 s1, $0xD  }
0x5: {  	s8 =	smul.u32 $0x14000, s1;
	_ =	strace $0x8000004A;
	s7 =	sshll.u32 s5, $0xC  }
0x6: {  	s9 =	ssub.s32 $0x2, s5;
	s5 =	smul.u32 $0xA000, s5;
	s6 =	sor.u32 s7, s6  }
0x7: {  	s30 =	sshrl.u32 s9, $0x1;
	s8 =	sadd.s32 s8, s4;
	s6 =	sshrl.u32 s6, $0x3  }
0x8: {  	s7 =	ssub.s32 s9, s30;
	s31 =	sadd.s32 s5, s8;
	s8 =	simm.s32 $0x200  }
0x9: {  	s9 =	simm.s32 $0x1;
	s6 =	sadd.s32 s6, s4;
	s4 =	smax.u32 s7, $0x1  }
0xa: {  	s7 =	simm.s32 $0x2;
	s5 =	sadd.s32 $0x156E00, s6;
	s6 =	sadd.s32 $0x16E00, s31  }
.LBB2_1:
0xb: {  	s11 =	sadd.s32 $0x0, s5  }
0xc: {  	[tilespmem:s2], [sflag:$0x2] =	stream.linear.gather [hbm4b:s11+s2], $0x200, $0x38;
	[tilespmem:$0xA200] =	vst v63  }
0xd: {  	_ =	swait.ge [sflag:s7], $0x200  }
0xe: {  	[sflag:s7] =	ssyncset.done $0x0  }
0xf: {  	[sflag:s7] =	ssyncadd.s32 $0xFFFFFE00  }
0x10: {  	[tilespmem:s8], [sflag:$0x1] =	stream.indirect.gather [hbm4b:s3+s8], $0x50, s2, s8, $0xb8;
	[tilespmem:$0xA200] =	vst v63  }
0x11: {  	_ =	swait.ge [sflag:s9], $0xA000  }
0x12: {  	[sflag:s9] =	ssyncset.done $0x0  }
0x13: {  	[sflag:s9] =	ssyncadd.s32 $0xFFFF6000  }
0x14: {  	[hbm4b:s6+s2] =	stream.linear.scatter [tilespmem:s8], [sflag:$0x2], $0xA000, $0x38;
	[tilespmem:$0xA200] =	vst v63  }
0x15: {  	s12 =	simm.s32 $0x40;
	_ =	swait.ge [sflag:s7], $0xA000  }
0x16: {  	s13 =	simm.s32 $0x80;
	s11 =	sadd.s32 $0x1400, s6;
	[sflag:s7] =	ssyncset.done $0x0  }
.LBB2_2:
0x17: {  	s14 =	sadd.s32 s12, s5  }
0x18: {  	[sflag:s7] =	ssyncadd.s32 $0xFFFF6000;
	s12 =	smov.u32 s13;
	s15 =	sadd.s32 $0x40, s13  }
0x19: {  	[tilespmem:s2], [sflag:$0x2] =	stream.linear.gather [hbm4b:s14+s2], $0x200, $0x38;
	[tilespmem:$0xA200] =	vst v63  }
0x1a: {  	p0 =	sne.s32 s13, $0x1C0;
	_ =	swait.ge [sflag:s7], $0x200  }
0x1b: {  	[sflag:s7] =	ssyncset.done $0x0  }
0x1c: {  	[sflag:s7] =	ssyncadd.s32 $0xFFFFFE00  }
0x1d: {  	[tilespmem:s8], [sflag:$0x1] =	stream.indirect.gather [hbm4b:s3+s8], $0x50, s2, s8, $0xb8;
	[tilespmem:$0xA200] =	vst v63  }
0x1e: {  	_ =	swait.ge [sflag:s9], $0xA000  }
.Ltmp0:
0x1f: {  	[sflag:s9] =	ssyncset.done $0x0;
	(pc) =	sbr.rel @p0 .LBB2_2-.Ltmp0, $4  }
0x20: {  	[sflag:s9] =	ssyncadd.s32 $0xFFFF6000  }
0x21: {  	[hbm4b:s11+s2] =	stream.linear.scatter [tilespmem:s8], [sflag:$0x2], $0xA000, $0x38;
	[tilespmem:$0xA200] =	vst v63  }
0x22: {  	_ =	swait.ge [sflag:s7], $0xA000  }
0x23: {  	s13 =	smov.u32 s15;
	s11 =	sadd.s32 $0x1400, s11;
	[sflag:s7] =	ssyncset.done $0x0  }
0x24: {  	s12 =	sadd.s32 s12, s5;
	[sflag:s7] =	ssyncadd.s32 $0xFFFF6000  }
0x25: {  	[tilespmem:s2], [sflag:$0x2] =	stream.linear.gather [hbm4b:s12+s2], $0x200, $0x38;
	[tilespmem:$0xA200] =	vst v63  }
0x26: {  	_ =	swait.ge [sflag:s7], $0x200  }
0x27: {  	[sflag:s7] =	ssyncset.done $0x0  }
0x28: {  	[sflag:s7] =	ssyncadd.s32 $0xFFFFFE00  }
0x29: {  	[tilespmem:s8], [sflag:$0x1] =	stream.indirect.gather [hbm4b:s3+s8], $0x50, s2, s8, $0xb8;
	[tilespmem:$0xA200] =	vst v63  }
0x2a: {  	s10 =	sadd.s32 $0x1, s10;
	_ =	swait.ge [sflag:s9], $0xA000  }
0x2b: {  	p0 =	sne.s32 s10, s4;
	[sflag:s9] =	ssyncset.done $0x0  }
.Ltmp1:
0x2c: {  	[sflag:s9] =	ssyncadd.s32 $0xFFFF6000;
	(pc) =	sbr.rel @p0 .LBB2_1-.Ltmp1, $4  }
0x2d: {  	[hbm4b:s11+s2] =	stream.linear.scatter [tilespmem:s8], [sflag:$0x2], $0xA000, $0x38;
	[tilespmem:$0xA200] =	vst v63  }
0x2e: {  	_ =	swait.ge [sflag:s7], $0xA000  }
0x2f: {  	[sflag:s7] =	ssyncset.done $0x0  }
0x30: {  	[sflag:s7] =	ssyncadd.s32 $0xFFFF6000  }
0x31: {  	_ =	sfence.sel $0x180000  }
0x32: {  	[bflag:$0x0] =	sbarrier.arrive $0xFFFF  }
0x33: {  	p0 =	sne.s32 s1, $0x0;
	_ =	strace $0x9000004A  }
0x34: {  	s0 =	sadd.s32 @!p0 $0x100000, s0;
	[bflag:$0x2] =	sbarrier.arrive $0xFFFF  }
0x35: {  	[sflag:s0] =	ssyncadd.tile.s32 @!p0 $0x1;
	_ =	shalt  }
.Lfunc_end2:
_tile_overlayer_lowered:
.L_overlay_start_2:
0x36: {  	(tag) =	ssettag $0x2  }
0x37: {  	s0 =	rddreg [dreg:$0x0];
	s2 =	stileid.u32  }
0x38: {  	s1 =	rddreg [dreg:$0x1];
	p0 =	sne.s32 s2, $0x0  }
0x39: {  	s3 =	rddreg [dreg:$0x2];
	[bflag:$0x3] =	sbarrier.arrive $0xFFFF;
	s2 =	simm.s32 @!p0 $0x1C02  }
0x3a: {  	[timem:s3], [sflag:s2] =	dma.local @!p0 [hbm:s0], s1  }
0x3b: {  	s0 =	simm.s32 @!p0 $0x2  }
0x3c: {  	_ =	swait.ge @!p0 [sflag:s0], s1  }
0x3d: {  	s1 =	ssub.s32 @!p0 $0x0, s1;
	[sflag:s0] =	ssyncset.done @!p0 $0x0  }
0x3e: {  	[sflag:s0] =	ssyncadd.s32 @!p0 s1  }
0x3f: {  	[bflag:$0x3] =	sbarrier.arrive $0xFFFF  }
0x40: {  	_ =	shalt  }

// kernel: kernel.8.cloned.1.call-start
scs
__scs_entry_jumppad:
0x0: {  	(pc) =	sbr.rel $0x88, $3  }
0x1: {  	(tag) =	ssettag $0x0;
	lr =	simm.s32 $0x1  }
0x2: {  	[smem:$0x3F8D] =	sst lr;
	_ =	strace $0xD0000000  }
0x3: {  	_ = 	snop  }
0x4: {  	_ = 	snop  }
0x5: {  	_ = 	snop  }
0x6: {  	_ = 	snop  }
0x7: {  	_ = 	snop  }
__scs_overlays_trampoline_lowered:
0x8: {  	[smem:$0x3F9C] =	sst s0  }
0x9: {  	[smem:$0x3F9D] =	sst s1  }
0xa: {  	[smem:$0x3F9E] =	sst s2  }
0xb: {  	[smem:$0x3F9F] =	sst s3  }
0xc: {  	[smem:$0x3FA0] =	sst s4  }
0xd: {  	[smem:$0x3FA1] =	sst s5  }
0xe: {  	[smem:$0x3FA2] =	sst s6  }
0xf: {  	[smem:$0x3FA3] =	sst s7  }
0x10: {  	[smem:$0x3FA4] =	sst s8  }
0x11: {  	[smem:$0x3FA5] =	sst s9;
	s0 =	simm.s32 @!p0 $0x0  }
0x12: {  	s1 =	sld [smem:$0x3F8B];
	s0 =	simm.s32 @p0 $0x1  }
0x13: {  	[smem:$0x3FA6] =	sst s0;
	s0 =	simm.s32 @!p1 $0x0  }
0x14: {  	s2 =	sld [smem:$0x3F8A];
	s0 =	simm.s32 @p1 $0x1  }
0x15: {  	[smem:$0x3FA7] =	sst s0;
	s0 =	simm.s32 @!p2 $0x0  }
0x16: {  	s3 =	sld [smem:$0x3FDB];
	s0 =	simm.s32 @p2 $0x1  }
0x17: {  	s4 =	simm.s32 $0x1BF5;
	[smem:$0x3FA9] =	sst s0  }
0x18: {  	s0 =	sld [smem:$0x3F8C];
	_ =	swait.ge [sflag:s4], $0x0  }
0x19: {  	s7 =	sld [smem:$0x3F8D]  }
0x1a: {  	s8 =	sadd.s32 $0xFFFFE003, lr  }
0x1b: {  	s9 =	sadd.s32 $0xFFFFFEF7, lr;
	s5 =	simm.s32 $0xFFFFFFFF;
	p2 =	slt.u32 s8, $0xFFFFF086  }
0x1c: {  	p1 =	slt.u32 s9, $0xF7A;
	s5 =	simm.s32 @!p2 $0x0  }
0x1d: {  	s5 =	simm.s32 @p1 $0x1;
	p0 =	seq.s32 s7, s2  }
0x1e: {  	s7 =	smul.u32 @!p0 $0xF7A, s2;
	p2 =	seq.s32 @!p0 s5, $0x0  }
0x1f: {  	s9 =	smul.u32 $0xF7A, s1;
	s8 =	simm.s32 @!p0 $0x1BF5;
	p2 =	por !p2, p0  }
0x20: {  	[sflag:s8] =	ssyncset.s32 @!p0 $0xFFFFF086;
	s6 =	sadd.s32 @!p0 s3, s7;
	s7 =	simm.s32 @!p0 $0x108  }
0x21: {  	s3 =	sadd.s32 s3, s9;
	s6 =	sadd.s32 @!p0 $0x88, s6;
	s7 =	simm.s32 @p2 $0x1082  }
0x22: {  	[simem:s7], [sflag:s8] =	dma.local @!p0 [hbm:s6], $0xF7A  }
0x23: {  	s9 =	sor.u32 $0xD0000000, s2;
	s6 =	simm.s32 $0x108;
	_ =	swait.ge @!p0 [sflag:s8], $0x0  }
0x24: {  	s3 =	sadd.s32 $0x88, s3;
	s6 =	simm.s32 @!p1 $0x1082;
	[sflag:s4] =	ssyncset.s32 $0xFFFFF086  }
0x25: {  	[simem:s6], [sflag:s4] =	dma.local [hbm:s3], $0xF7A  }
0x26: {  	[smem:$0x3F8D] =	sst s1;
	(tag) =	ssettag s2;
	_ =	strace s9  }
0x27: {  	s1 =	sld [smem:$0x3F9D]  }
0x28: {  	s2 =	sld [smem:$0x3F9E]  }
0x29: {  	s4 =	sld [smem:$0x3FA0]  }
0x2a: {  	p0 =	seq.s32 s5, $0x0;
	s5 =	sld [smem:$0x3FA1]  }
0x2b: {  	s6 =	sld [smem:$0x3FA2]  }
0x2c: {  	s7 =	sld [smem:$0x3FA3]  }
0x2d: {  	s3 =	simm.s32 $0x108;
	s8 =	sld [smem:$0x3FA4]  }
0x2e: {  	s3 =	simm.s32 @!p0 $0x1082;
	s9 =	sld [smem:$0x3FA5]  }
0x2f: {  	lr =	sadd.s32 s0, s3;
	s0 =	sld [smem:$0x3F9C]  }
0x30: {  	s3 =	sld [smem:$0x3F9F]  }
0x31: {  	[smem:$0x3FA8] =	sst s10  }
0x32: {  	s10 =	sld [smem:$0x3FA6];
	_ =	sdelay $0x3  }
0x33: {  	p0 =	seq.s32 s10, $0x1;
	s10 =	sld [smem:$0x3FA8];
	_ =	sdelay $0x3  }
0x34: {  	[smem:$0x3FA8] =	sst s10  }
0x35: {  	s10 =	sld [smem:$0x3FA7];
	_ =	sdelay $0x3  }
0x36: {  	p1 =	seq.s32 s10, $0x1;
	s10 =	sld [smem:$0x3FA8];
	_ =	sdelay $0x3  }
0x37: {  	[smem:$0x3FA8] =	sst s10  }
0x38: {  	s10 =	sld [smem:$0x3FA9]  }
0x39: {  	_ = 	snop;
	(pc) =	sbr.ind lr, $3  }
0x3a: {  	_ = 	snop  }
0x3b: {  	_ = 	snop  }
0x3c: {  	p2 =	seq.s32 s10, $0x1;
	s10 =	sld [smem:$0x3FA8]  }
0x3d: {  	_ =	shalt  }
0x3e: {  	_ =	shalt  }
0x3f: {  	_ =	shalt  }
0x40: {  	_ =	shalt  }
0x41: {  	_ =	shalt  }
0x42: {  	_ =	shalt  }
0x43: {  	_ =	shalt  }
0x44: {  	_ =	shalt  }
0x45: {  	_ =	shalt  }
0x46: {  	_ =	shalt  }
0x47: {  	_ =	shalt  }
0x48: {  	_ =	shalt  }
0x49: {  	_ =	shalt  }
0x4a: {  	_ =	shalt  }
0x4b: {  	_ =	shalt  }
0x4c: {  	_ =	shalt  }
0x4d: {  	_ =	shalt  }
0x4e: {  	_ =	shalt  }
0x4f: {  	_ =	shalt  }
0x50: {  	_ =	shalt  }
0x51: {  	_ =	shalt  }
0x52: {  	_ =	shalt  }
0x53: {  	_ =	shalt  }
0x54: {  	_ =	shalt  }
0x55: {  	_ =	shalt  }
0x56: {  	_ =	shalt  }
0x57: {  	_ =	shalt  }
0x58: {  	_ =	shalt  }
0x59: {  	_ =	shalt  }
0x5a: {  	_ =	shalt  }
0x5b: {  	_ =	shalt  }
0x5c: {  	_ =	shalt  }
0x5d: {  	_ =	shalt  }
0x5e: {  	_ =	shalt  }
0x5f: {  	_ =	shalt  }
0x60: {  	_ =	shalt  }
0x61: {  	_ =	shalt  }
0x62: {  	_ =	shalt  }
0x63: {  	_ =	shalt  }
0x64: {  	_ =	shalt  }
0x65: {  	_ =	shalt  }
0x66: {  	_ =	shalt  }
0x67: {  	_ =	shalt  }
0x68: {  	_ =	shalt  }
0x69: {  	_ =	shalt  }
0x6a: {  	_ =	shalt  }
0x6b: {  	_ =	shalt  }
0x6c: {  	_ =	shalt  }
0x6d: {  	_ =	shalt  }
0x6e: {  	_ =	shalt  }
0x6f: {  	_ =	shalt  }
0x70: {  	_ =	shalt  }
0x71: {  	_ =	shalt  }
0x72: {  	_ =	shalt  }
0x73: {  	_ =	shalt  }
0x74: {  	_ =	shalt  }
0x75: {  	_ =	shalt  }
0x76: {  	_ =	shalt  }
0x77: {  	_ =	shalt  }
0x78: {  	_ =	shalt  }
0x79: {  	_ =	shalt  }
0x7a: {  	_ =	shalt  }
0x7b: {  	_ =	shalt  }
0x7c: {  	_ =	shalt  }
0x7d: {  	_ =	shalt  }
0x7e: {  	_ =	shalt  }
0x7f: {  	_ =	shalt  }
0x80: {  	_ =	shalt  }
0x81: {  	_ =	shalt  }
0x82: {  	_ =	shalt  }
0x83: {  	_ =	shalt  }
0x84: {  	_ =	shalt  }
0x85: {  	_ =	shalt  }
0x86: {  	_ =	shalt  }
0x87: {  	_ =	shalt  }
.Lfunc_end0:
.L_simem_size_0:
called_computation_lowered:
.L_overlay_start_0:
0x88: {  	s2 =	sld [smem:$0x3FD9]  }
0x89: {  	s3 =	sld [smem:$0x3FFE];
	_ =	sdelay $0x1  }
0x8a: {  	s1 =	srdreg.scid  }
0x8b: {  	s0 =	sand.u32 $0x1, s1  }
0x8c: {  	s17 =	sshll.u32 s0, $0xA;
	s2 =	sadd.s32 s3, s2  }
0x8d: {  	s2 =	sadd.s32 s2, s17  }
0x8e: {  	[smem:$0x3FB4] =	sst s2  }
0x8f: {  	_ = 	snop  }
0x90: {  	s2 =	sld [smem:$0x3FD0];
	(tm) =	ssettm $0x1  }
0x91: {  	s18 =	sld [smem:$0x3FFB];
	_ =	sdelay $0x3  }
0x92: {  	_ =	strace s18  }
0x93: {  	s3 =	sld [smem:$0x3FFC];
	_ =	sdelay $0x3  }
0x94: {  	_ =	strace s3  }
0x95: {  	s3 =	sld [smem:$0x3FFD];
	_ =	sdelay $0x3  }
0x96: {  	_ =	strace s3  }
0x97: {  	_ =	strace $0x8FFFFFFF  }
0x98: {  	s19 =	sld [smem:$0x3FDB];
	_ =	sdelay $0x1  }
0x99: {  	s4 =	simm.s32 $_scs_section_size  }
0x9a: {  	s5 =	simm.s32 $_size__tile_overlayer_lowered;
	s6 =	simm.s32 $_tile_overlayer_lowered  }
0x9b: {  	s22 =	simm.s32 $0x1BFF;
	s21 =	sshll.u32 s6, $0x1;
	s3 =	sadd.s32 s4, s19  }
0x9c: {  	s7 =	simm.s32 $0x0;
	s20 =	sshll.u32 s5, $0x1;
	s5 =	sadd.s32 s21, s3  }
0x9d: {  	[timem:s7], [sflag:s22] =	dma.local [hbm:s5], s20  }
0x9e: {  	_ =	swait.ge [sflag:s22], s20  }
0x9f: {  	s4 =	ssub.s32 $0x0, s20;
	[sflag:s22] =	ssyncset.done $0x0  }
0xa0: {  	[sflag:s22] =	ssyncadd.s32 s4;
	_ =	sdelay $0x1  }
0xa1: {  	s23 =	simm.s32 $0x1B8B  }
0xa2: {  	_ =	swait.ge [sflag:s23], $0x1  }
0xa3: {  	[sflag:s23] =	ssyncset.done $0x0  }
0xa4: {  	s25 =	simm.s32 $0x1B8E;
	s24 =	sld [smem:$0x3FFE];
	[sflag:s23] =	ssyncadd.s32 $0xFFFFFFFF  }
0xa5: {  	s26 =	simm.s32 $execute0_lowered;
	[smem:$0x3FD2] =	sst s25  }
0xa6: {  	s5 =	sshll.u32 s26, $0x1;
	_ =	strace $0x80000046;
	[dreg:$0x1] =	wrdreg $0xFFFFFFFF  }
0xa7: {  	s28 =	simm.s32 $_size_execute0_lowered;
	s3 =	sadd.s32 s3, s5;
	[dreg:$0x0] =	wrdreg $0x0  }
0xa8: {  	s5 =	sshll.u32 s28, $0x1;
	[dreg:$0x2] =	wrdreg s3  }
0xa9: {  	[dreg:$0x3] =	wrdreg s5  }
0xaa: {  	[dreg:$0x4] =	wrdreg $0xC0  }
0xab: {  	_ =	task [dreg:s7], $0x5FFFF  }
0xac: {  	[dreg:$0x1] =	wrdreg $0xFFFFFFFF  }
0xad: {  	[dreg:$0x0] =	wrdreg $0x60  }
0xae: {  	[dreg:$0x2] =	wrdreg s24  }
0xaf: {  	[dreg:$0x3] =	wrdreg s2  }
0xb0: {  	[dreg:$0x4] =	wrdreg $0x9  }
0xb1: {  	_ =	task.clear_ibuf [dreg:s7], $0x5FFFF;
	_ =	strace $0x90000046  }
0xb2: {  	s29 =	simm.s32 $0x9;
	_ =	strace $0x80000048  }
0xb3: {  	_ =	swait.ge [sflag:s29], $0x1  }
0xb4: {  	[sflag:s29] =	ssyncadd.s32 $0xFFFFFFFF  }
0xb5: {  	_ =	strace $0x90000048  }
0xb6: {  	_ =	sfence  }
0xb7: {  	s30 =	sld [smem:$0x0];
	_ =	sdelay $0x2  }
0xb8: {  	s31 =	sshll.u32 s1, $0xD;
	s1 =	sshrl.u32 s1, $0x2  }
0xb9: {  	s3 =	sand.u32 $0x4000, s31;
	s1 =	sadd.s32 s1, s30  }
0xba: {  	s0 =	sor.u32 s3, s0;
	s1 =	sshll.u32 s1, $0x11  }
0xbb: {  	s0 =	sor.u32 s1, s0  }
0xbc: {  	s0 =	sadd.s32 $0x8F2B, s0  }
0xbd: {  	[sflag:s0] =	ssyncadd.remote.s32 $0x1  }
0xbe: {  	_ =	sfence.sel $0xFFFF  }
0xbf: {  	[dreg:$0x0] =	wrdreg $0xFFFFFFFF;
	(pc) =	sbr.abs _section_cstart, $3  }
0xc0: {  	[dreg:$0x1] =	wrdreg $0xFFFFFFFF  }
0xc1: {  	_ =	task.clear_ibuf [dreg:s7], $0x2FFFF;
	_ =	strace $0x9FFFFFFF  }
0xc2: {  	(tm) =	ssettm $0x7FFFFFFF  }
0xc3: {  	_ =	shalt  }
tec
execute0_lowered:
.L_overlay_start_1:
0x0: {  	(tag) =	ssettag $0x1  }
0x1: {  	s3 =	rddreg [dreg:$0x0]  }
0x2: {  	s5 =	rddreg [dreg:$0x1]  }
0x3: {  	s0 =	rddreg [dreg:$0x2];
	s1 =	stileid.u32  }
0x4: {  	s4 =	srdreg.scid;
	s2 =	simm.s32 $0x0;
	s6 =	smul.u32 $0x14000, s1  }
0x5: {  	s4 =	sand.u32 $0x1, s4;
	[smem:$0x7FF] =	sst s2;
	s9 =	sshll.u32 s1, $0xD  }
0x6: {  	s7 =	ssub.s32 $0x2, s4;
	_ =	strace $0x80000047;
	s10 =	sshll.u32 s4, $0xC  }
0x7: {  	s11 =	smul.u32 $0xA000, s4;
	s6 =	sadd.s32 s6, s3;
	s8 =	sshrl.u32 s7, $0x1  }
0x8: {  	s3 =	sadd.s32 $0x2E00, s3;
	s31 =	sor.u32 s10, s9;
	s9 =	simm.s32 $0x1  }
0x9: {  	s10 =	simm.s32 $0x0;
	s30 =	ssub.s32 s7, s8;
	s7 =	sshrl.u32 s31, $0x3  }
0xa: {  	s6 =	sadd.s32 s11, s6;
	s8 =	simm.s32 $0x200;
	s4 =	smax.u32 s30, $0x1  }
0xb: {  	s5 =	sadd.s32 s7, s5;
	s6 =	sadd.s32 $0x16E00, s6;
	s7 =	simm.s32 $0x2  }
.LBB2_1:
0xc: {  	s11 =	sadd.s32 $0x0, s5  }
0xd: {  	[tilespmem:s2], [sflag:$0x2] =	stream.linear.gather [hbm4b:s11+s2], $0x200, $0x38;
	[tilespmem:$0xA200] =	vst v63  }
0xe: {  	_ =	swait.ge [sflag:s7], $0x200  }
0xf: {  	[sflag:s7] =	ssyncset.done $0x0  }
0x10: {  	[sflag:s7] =	ssyncadd.s32 $0xFFFFFE00  }
0x11: {  	[tilespmem:s8], [sflag:$0x1] =	stream.indirect.gather [hbm4b:s3+s8], $0x50, s2, s8, $0xb8;
	[tilespmem:$0xA200] =	vst v63  }
0x12: {  	_ =	swait.ge [sflag:s9], $0xA000  }
0x13: {  	[sflag:s9] =	ssyncset.done $0x0  }
0x14: {  	[sflag:s9] =	ssyncadd.s32 $0xFFFF6000  }
0x15: {  	[hbm4b:s6+s2] =	stream.linear.scatter [tilespmem:s8], [sflag:$0x2], $0xA000, $0x38;
	[tilespmem:$0xA200] =	vst v63  }
0x16: {  	s12 =	simm.s32 $0x40;
	_ =	swait.ge [sflag:s7], $0xA000  }
0x17: {  	s13 =	simm.s32 $0x80;
	s11 =	sadd.s32 $0x1400, s6;
	[sflag:s7] =	ssyncset.done $0x0  }
.LBB2_2:
0x18: {  	s14 =	sadd.s32 s12, s5  }
0x19: {  	[sflag:s7] =	ssyncadd.s32 $0xFFFF6000;
	s12 =	smov.u32 s13;
	s15 =	sadd.s32 $0x40, s13  }
0x1a: {  	[tilespmem:s2], [sflag:$0x2] =	stream.linear.gather [hbm4b:s14+s2], $0x200, $0x38;
	[tilespmem:$0xA200] =	vst v63  }
0x1b: {  	p0 =	sne.s32 s13, $0x1C0;
	_ =	swait.ge [sflag:s7], $0x200  }
0x1c: {  	[sflag:s7] =	ssyncset.done $0x0  }
0x1d: {  	[sflag:s7] =	ssyncadd.s32 $0xFFFFFE00  }
0x1e: {  	[tilespmem:s8], [sflag:$0x1] =	stream.indirect.gather [hbm4b:s3+s8], $0x50, s2, s8, $0xb8;
	[tilespmem:$0xA200] =	vst v63  }
0x1f: {  	_ =	swait.ge [sflag:s9], $0xA000  }
.Ltmp0:
0x20: {  	[sflag:s9] =	ssyncset.done $0x0;
	(pc) =	sbr.rel @p0 .LBB2_2-.Ltmp0, $4  }
0x21: {  	[sflag:s9] =	ssyncadd.s32 $0xFFFF6000  }
0x22: {  	[hbm4b:s11+s2] =	stream.linear.scatter [tilespmem:s8], [sflag:$0x2], $0xA000, $0x38;
	[tilespmem:$0xA200] =	vst v63  }
0x23: {  	_ =	swait.ge [sflag:s7], $0xA000  }
0x24: {  	s13 =	smov.u32 s15;
	s11 =	sadd.s32 $0x1400, s11;
	[sflag:s7] =	ssyncset.done $0x0  }
0x25: {  	s12 =	sadd.s32 s12, s5;
	[sflag:s7] =	ssyncadd.s32 $0xFFFF6000  }
0x26: {  	[tilespmem:s2], [sflag:$0x2] =	stream.linear.gather [hbm4b:s12+s2], $0x200, $0x38;
	[tilespmem:$0xA200] =	vst v63  }
0x27: {  	_ =	swait.ge [sflag:s7], $0x200  }
0x28: {  	[sflag:s7] =	ssyncset.done $0x0  }
0x29: {  	[sflag:s7] =	ssyncadd.s32 $0xFFFFFE00  }
0x2a: {  	[tilespmem:s8], [sflag:$0x1] =	stream.indirect.gather [hbm4b:s3+s8], $0x50, s2, s8, $0xb8;
	[tilespmem:$0xA200] =	vst v63  }
0x2b: {  	s10 =	sadd.s32 $0x1, s10;
	_ =	swait.ge [sflag:s9], $0xA000  }
0x2c: {  	p0 =	sne.s32 s10, s4;
	[sflag:s9] =	ssyncset.done $0x0  }
.Ltmp1:
0x2d: {  	[sflag:s9] =	ssyncadd.s32 $0xFFFF6000;
	(pc) =	sbr.rel @p0 .LBB2_1-.Ltmp1, $4  }
0x2e: {  	[hbm4b:s11+s2] =	stream.linear.scatter [tilespmem:s8], [sflag:$0x2], $0xA000, $0x38;
	[tilespmem:$0xA200] =	vst v63  }
0x2f: {  	_ =	swait.ge [sflag:s7], $0xA000  }
0x30: {  	[sflag:s7] =	ssyncset.done $0x0  }
0x31: {  	[sflag:s7] =	ssyncadd.s32 $0xFFFF6000  }
0x32: {  	_ =	sfence.sel $0x180000  }
0x33: {  	[bflag:$0x0] =	sbarrier.arrive $0xFFFF  }
0x34: {  	p0 =	sne.s32 s1, $0x0;
	_ =	strace $0x90000047  }
0x35: {  	s0 =	sadd.s32 @!p0 $0x100000, s0;
	[bflag:$0x2] =	sbarrier.arrive $0xFFFF  }
0x36: {  	[sflag:s0] =	ssyncadd.tile.s32 @!p0 $0x1;
	_ =	shalt  }
.Lfunc_end2:
_tile_overlayer_lowered:
.L_overlay_start_2:
0x37: {  	(tag) =	ssettag $0x2  }
0x38: {  	s0 =	rddreg [dreg:$0x0];
	s2 =	stileid.u32  }
0x39: {  	s1 =	rddreg [dreg:$0x1];
	p0 =	sne.s32 s2, $0x0  }
0x3a: {  	s3 =	rddreg [dreg:$0x2];
	[bflag:$0x3] =	sbarrier.arrive $0xFFFF;
	s2 =	simm.s32 @!p0 $0x1C02  }
0x3b: {  	[timem:s3], [sflag:s2] =	dma.local @!p0 [hbm:s0], s1  }
0x3c: {  	s0 =	simm.s32 @!p0 $0x2  }
0x3d: {  	_ =	swait.ge @!p0 [sflag:s0], s1  }
0x3e: {  	s1 =	ssub.s32 @!p0 $0x0, s1;
	[sflag:s0] =	ssyncset.done @!p0 $0x0  }
0x3f: {  	[sflag:s0] =	ssyncadd.s32 @!p0 s1  }
0x40: {  	[bflag:$0x3] =	sbarrier.arrive $0xFFFF  }
0x41: {  	_ =	shalt  }

</sc_bundles>
